<compile_context>
chip_gen: v7x
topology: tpu7x:2x2x1
jax: 0.10.2.dev20260603
libtpu: 0.0.44.dev20260713+nightly
codegen_flags: <defaults>
</compile_context>

<pallas_src>
import functools

import jax
import jax.numpy as jnp
from jax import lax
from jax.experimental import pallas as pl
from jax.experimental.pallas import tpu as pltpu
from jax.experimental.pallas import tpu_sc as plsc

NC = 2
NS = 16
NW = NC * NS
CHUNK = 128


def _sc_gather(table, idx3):
    _, chunks, chunk = idx3.shape
    d = table.shape[1]
    per_w = chunks * chunk
    mesh = plsc.VectorSubcoreMesh(core_axis_name="c", subcore_axis_name="s")

    @functools.partial(
        pl.kernel,
        mesh=mesh,
        compiler_params=pltpu.CompilerParams(use_tc_tiling_on_sc=False),
        out_type=jax.ShapeDtypeStruct((NW * per_w, d), jnp.float32),
        scratch_types=(
            [pltpu.VMEM((chunks, chunk), jnp.int32),
             pltpu.VMEM((8, chunk, d), jnp.float32)]
            + [pltpu.SemaphoreType.DMA] * 16
        ),
    )
    def k(table_hbm, idx_hbm, out_hbm, idx_v, rows_v, *sems):
        wid = lax.axis_index("s") * NC + lax.axis_index("c")
        pltpu.sync_copy(idx_hbm.at[wid], idx_v)
        base = wid * per_w
        gsems = sems[:8]
        osems = sems[8:]

        def gather(g, b, sem):
            pltpu.async_copy(table_hbm.at[idx_v.at[g]], rows_v.at[b], sem)

        def gwait(g, b, sem):
            pltpu.make_async_copy(table_hbm.at[idx_v.at[g]], rows_v.at[b], sem).wait()

        def store(g, b, sem):
            pltpu.async_copy(rows_v.at[b], out_hbm.at[pl.ds(base + g * chunk, chunk)], sem)

        def swait(g, b, sem):
            pltpu.make_async_copy(
                rows_v.at[b], out_hbm.at[pl.ds(base + g * chunk, chunk)], sem).wait()

        for b in range(8):
            gather(b, b, gsems[b])

        def step(s, carry):
            g0_ = 8 * s
            for b in range(8):
                gwait(g0_ + b, b, gsems[b])
                store(g0_ + b, b, osems[b])
            for b in range(8):
                gn = g0_ + 8 + b

                @pl.when(gn < chunks)
                def _():
                    swait(g0_ + b, b, osems[b])
                    gather(gn, b, gsems[b])
            return carry

        lax.fori_loop(0, chunks // 8, step, 0)
        for b in range(8):
            swait(chunks - 8 + b, b, osems[b])

    return k(table, idx3)


def _tc_ffn_paired(epair, W1p, b1p, W2p, b2p, W3pT, b3p):
    m, _ = epair.shape
    blk = 4096
    grid = m // blk

    def body(e_ref, w1_ref, b1_ref, w2_ref, b2_ref, w3t_ref, b3_ref, x_ref):
        e = e_ref[...]
        h = jnp.maximum(jnp.dot(e, w1_ref[...], preferred_element_type=jnp.float32) + b1_ref[...], 0.0)
        h = jnp.maximum(jnp.dot(h, w2_ref[...], preferred_element_type=jnp.float32) + b2_ref[...], 0.0)
        xt = jax.lax.dot_general(w3t_ref[...], h, (((1,), (1,)), ((), ())),
                                 preferred_element_type=jnp.float32)
        x_ref[...] = xt + b3_ref[...]

    return pl.pallas_call(
        body,
        grid=(grid,),
        in_specs=[
            pl.BlockSpec((blk, 128), lambda i: (i, 0)),
            pl.BlockSpec((128, 120), lambda i: (0, 0)),
            pl.BlockSpec((1, 120), lambda i: (0, 0)),
            pl.BlockSpec((120, 120), lambda i: (0, 0)),
            pl.BlockSpec((1, 120), lambda i: (0, 0)),
            pl.BlockSpec((2, 120), lambda i: (0, 0)),
            pl.BlockSpec((2, 1), lambda i: (0, 0)),
        ],
        out_specs=pl.BlockSpec((2, blk), lambda i: (0, i)),
        out_shape=jax.ShapeDtypeStruct((2, m), jnp.float32),
    )(epair, W1p, b1p.reshape(1, 120), W2p, b2p.reshape(1, 120), W3pT, b3p)


def kernel(poi_no, table, W1, b1, W2, b2, W3, b3):
    b, hist = poi_no.shape
    n = b * hist
    d = table.shape[1]
    chunks = n // (NW * CHUNK)
    idx3 = poi_no.astype(jnp.int32).reshape(NW, chunks, CHUNK)
    embed_flat = _sc_gather(table, idx3)
    epair = embed_flat.reshape(n // 2, 2 * d)
    h1 = W1.shape[1]
    h2 = W2.shape[1]
    z12 = jnp.zeros((h1, h2), jnp.float32)
    W1p = jnp.block([[W1, jnp.zeros((d, h1), jnp.float32)],
                     [jnp.zeros((d, h1), jnp.float32), W1]])
    W2p = jnp.block([[W2, z12], [z12, W2]])
    W3pT = jnp.block([[W3.T, jnp.zeros((1, h2), jnp.float32)],
                      [jnp.zeros((1, h2), jnp.float32), W3.T]])
    b1p = jnp.concatenate([b1, b1])
    b2p = jnp.concatenate([b2, b2])
    b3p = jnp.concatenate([b3, b3]).reshape(2, 1)
    x2 = _tc_ffn_paired(epair, W1p, b1p, W2p, b2p, W3pT, b3p)
    x_flat = jnp.stack([x2[0], x2[1]], axis=1)
    return x_flat.reshape(b, hist, 1), embed_flat.reshape(b, hist, d)

# --- scband reference (transcript-rebuilt; emitter-appended) ---
"""Pipeline reference for scband-poi-encoder-1254130450960 (READ-ONLY COPY).

The authoritative reference and input builder live on the scoring server;
editing this copy changes nothing except your own understanding.
"""

import jax, jax.numpy as jnp
import numpy as np

NUM_POI = 1000000
EMBED_SZ = 64
BATCH = 16384
HIST = 50
HIDDEN = [60, 60]


def setup_inputs(seed: int = 0) -> dict:
    key = jax.random.key(seed)
    k1, k2, k3, k4, k5 = jax.random.split(key, 5)
    poi_no = jax.random.randint(k1, (BATCH, HIST), 0, NUM_POI, dtype=jnp.int64) if jax.config.jax_enable_x64 else jax.random.randint(k1, (BATCH, HIST), 0, NUM_POI, dtype=jnp.int32)
    table = jax.random.normal(k2, (NUM_POI, EMBED_SZ), dtype=jnp.float32) * 0.02
    # FFN: embed_sz -> 60 -> 60 -> 1 with ReLU between layers
    W1 = jax.random.normal(k3, (EMBED_SZ, HIDDEN[0]), dtype=jnp.float32) * (1.0 / np.sqrt(EMBED_SZ))
    b1 = jnp.zeros((HIDDEN[0],), dtype=jnp.float32)
    W2 = jax.random.normal(k4, (HIDDEN[0], HIDDEN[1]), dtype=jnp.float32) * (1.0 / np.sqrt(HIDDEN[0]))
    b2 = jnp.zeros((HIDDEN[1],), dtype=jnp.float32)
    W3 = jax.random.normal(k5, (HIDDEN[1], 1), dtype=jnp.float32) * (1.0 / np.sqrt(HIDDEN[1]))
    b3 = jnp.zeros((1,), dtype=jnp.float32)
    return {"poi_no": poi_no, "table": table, "W1": W1, "b1": b1, "W2": W2, "b2": b2, "W3": W3, "b3": b3}


def reference(poi_no, table, W1, b1, W2, b2, W3, b3):
    # embedding lookup
    embed = jnp.take(table, poi_no, axis=0)  # [B, L, embed_sz]
    # FFN fc head
    h = jax.nn.relu(embed @ W1 + b1)
    h = jax.nn.relu(h @ W2 + b2)
    x = h @ W3 + b3  # [B, L, 1]
    return (x, embed)

if __name__ == "__main__":
    import jax
    _d = setup_inputs()
    print(jax.jit(kernel)(*tuple(_d.values())))

</pallas_src>

<mosaic_0001>
#map = affine_map<(d0, d1) -> (0, 0)>
#map1 = affine_map<(d0, d1) -> (0, 0, 0)>
module attributes {stable_mosaic.version = 14 : i64} {
  func.func @k(%arg0: i32, %arg1: i32, %arg2: memref<1000000x64xf32, #tpu.memory_space<hbm>>, %arg3: memref<32x200x128xi32, #tpu.memory_space<hbm>>, %arg4: memref<819200x64xf32, #tpu.memory_space<hbm>>, %arg5: memref<200x128xi32, #tpu.memory_space<vmem>>, %arg6: memref<8x128x64xf32, #tpu.memory_space<vmem>>, %arg7: memref<!tpu.dma_semaphore, #tpu.memory_space<semaphore_mem>>, %arg8: memref<!tpu.dma_semaphore, #tpu.memory_space<semaphore_mem>>, %arg9: memref<!tpu.dma_semaphore, #tpu.memory_space<semaphore_mem>>, %arg10: memref<!tpu.dma_semaphore, #tpu.memory_space<semaphore_mem>>, %arg11: memref<!tpu.dma_semaphore, #tpu.memory_space<semaphore_mem>>, %arg12: memref<!tpu.dma_semaphore, #tpu.memory_space<semaphore_mem>>, %arg13: memref<!tpu.dma_semaphore, #tpu.memory_space<semaphore_mem>>, %arg14: memref<!tpu.dma_semaphore, #tpu.memory_space<semaphore_mem>>, %arg15: memref<!tpu.dma_semaphore, #tpu.memory_space<semaphore_mem>>, %arg16: memref<!tpu.dma_semaphore, #tpu.memory_space<semaphore_mem>>, %arg17: memref<!tpu.dma_semaphore, #tpu.memory_space<semaphore_mem>>, %arg18: memref<!tpu.dma_semaphore, #tpu.memory_space<semaphore_mem>>, %arg19: memref<!tpu.dma_semaphore, #tpu.memory_space<semaphore_mem>>, %arg20: memref<!tpu.dma_semaphore, #tpu.memory_space<semaphore_mem>>, %arg21: memref<!tpu.dma_semaphore, #tpu.memory_space<semaphore_mem>>, %arg22: memref<!tpu.dma_semaphore, #tpu.memory_space<semaphore_mem>>) attributes {dimension_semantics = [#tpu.dimension_semantics<core_parallel>, #tpu.dimension_semantics<subcore_parallel>], iteration_bounds = array<i64: 2, 16>, scalar_prefetch = 0 : i64, scratch_operands = 18 : i64, tpu.core_type = #tpu.core_type<sc_vector_subcore>, window_params = [{transform_indices = #map}, {transform_indices = #map1}, {transform_indices = #map}]} {
    %mul3A = arith.constant 2 : i32
    %mul3A_0 = arith.muli %arg1, %mul3A : i32
    %add3A = arith.addi %mul3A_0, %arg0 : i32
    "tpu.region"() ({
      %run_scoped3A = tpu.sem_alloc : memref<!tpu.dma_semaphore, #tpu.memory_space<semaphore_mem>>
      %dma_start3A_222 = arith.constant 0 : i32
      %dma_start3A_223 = arith.constant 0 : i32
      %dma_start3A_224 = tpu.memref_slice %arg3[%add3A, %dma_start3A_222, %dma_start3A_223] : memref<32x200x128xi32, #tpu.memory_space<hbm>> -> memref<1x200x128xi32, #tpu.memory_space<hbm>>
      %dma_start3A_225 = tpu.memref_squeeze %dma_start3A_224 : memref<1x200x128xi32, #tpu.memory_space<hbm>> -> memref<200x128xi32, #tpu.memory_space<hbm>>
      %dma_start3A_226 = arith.constant 0 : i32
      %dma_start3A_227 = arith.constant 0 : i32
      %dma_start3A_228 = tpu.memref_slice %arg3[%add3A, %dma_start3A_226, %dma_start3A_227] : memref<32x200x128xi32, #tpu.memory_space<hbm>> -> memref<1x200x128xi32, #tpu.memory_space<hbm>>
      %dma_start3A_229 = tpu.memref_squeeze %dma_start3A_228 : memref<1x200x128xi32, #tpu.memory_space<hbm>> -> memref<200x128xi32, #tpu.memory_space<hbm>>
      tpu.enqueue_dma source(%dma_start3A_229 : memref<200x128xi32, #tpu.memory_space<hbm>>) target(%arg5 : memref<200x128xi32, #tpu.memory_space<vmem>>) target_semaphore(%run_scoped3A : memref<!tpu.dma_semaphore, #tpu.memory_space<semaphore_mem>>)
      %dma_wait3A_230 = arith.constant 0 : i32
      %dma_wait3A_231 = arith.constant 0 : i32
      %dma_wait3A_232 = tpu.memref_slice %arg3[%add3A, %dma_wait3A_230, %dma_wait3A_231] : memref<32x200x128xi32, #tpu.memory_space<hbm>> -> memref<1x200x128xi32, #tpu.memory_space<hbm>>
      %dma_wait3A_233 = tpu.memref_squeeze %dma_wait3A_232 : memref<1x200x128xi32, #tpu.memory_space<hbm>> -> memref<200x128xi32, #tpu.memory_space<hbm>>
      %dma_wait3A_234 = arith.constant 0 : i32
      %dma_wait3A_235 = arith.constant 0 : i32
      %dma_wait3A_236 = tpu.memref_slice %arg3[%add3A, %dma_wait3A_234, %dma_wait3A_235] : memref<32x200x128xi32, #tpu.memory_space<hbm>> -> memref<1x200x128xi32, #tpu.memory_space<hbm>>
      %dma_wait3A_237 = tpu.memref_squeeze %dma_wait3A_236 : memref<1x200x128xi32, #tpu.memory_space<hbm>> -> memref<200x128xi32, #tpu.memory_space<hbm>>
      tpu.wait_dma2 semaphore(%run_scoped3A : memref<!tpu.dma_semaphore, #tpu.memory_space<semaphore_mem>>) src(%dma_wait3A_237 : memref<200x128xi32, #tpu.memory_space<hbm>>) dst(%arg5 : memref<200x128xi32, #tpu.memory_space<vmem>>)
      tpu.yield
    }) : () -> ()
    %mul3A_1 = arith.constant 25600 : i32
    %mul3A_2 = arith.muli %add3A, %mul3A_1 : i32
    %dma_start3A = arith.constant 0 : i32
    %dma_start3A_3 = arith.constant 0 : i32
    %dma_start3A_4 = arith.constant 0 : i32
    %dma_start3A_5 = arith.constant 0 : i32
    %dma_start3A_6 = tpu.memref_slice %arg6[%dma_start3A_3, %dma_start3A_4, %dma_start3A_5] : memref<8x128x64xf32, #tpu.memory_space<vmem>> -> memref<1x128x64xf32, #tpu.memory_space<vmem>>
    %dma_start3A_7 = tpu.memref_squeeze %dma_start3A_6 : memref<1x128x64xf32, #tpu.memory_space<vmem>> -> memref<128x64xf32, #tpu.memory_space<vmem>>
    %dma_start3A_8 = arith.constant 0 : i32
    %dma_start3A_9 = tpu.memref_slice %arg5[%dma_start3A, %dma_start3A_8] : memref<200x128xi32, #tpu.memory_space<vmem>> -> memref<1x128xi32, #tpu.memory_space<vmem>>
    %dma_start3A_10 = tpu.memref_squeeze %dma_start3A_9 : memref<1x128xi32, #tpu.memory_space<vmem>> -> memref<128xi32, #tpu.memory_space<vmem>>
    %dma_start3A_11 = arith.constant 0 : i32
    %dma_start3A_12 = arith.constant 0 : i32
    %dma_start3A_13 = tpu.memref_slice %arg2[%dma_start3A_11, %dma_start3A_12] : memref<1000000x64xf32, #tpu.memory_space<hbm>> -> memref<1000000x64xf32, #tpu.memory_space<hbm>>
    tpu.enqueue_indirect_dma source(%dma_start3A_13 : memref<1000000x64xf32, #tpu.memory_space<hbm>>) target(%dma_start3A_7 : memref<128x64xf32, #tpu.memory_space<vmem>>) offsets(%dma_start3A_10 : memref<128xi32, #tpu.memory_space<vmem>>) semaphore(%arg7 : memref<!tpu.dma_semaphore, #tpu.memory_space<semaphore_mem>>)
    %dma_start3A_14 = arith.constant 1 : i32
    %dma_start3A_15 = arith.constant 1 : i32
    %dma_start3A_16 = arith.constant 0 : i32
    %dma_start3A_17 = arith.constant 0 : i32
    %dma_start3A_18 = tpu.memref_slice %arg6[%dma_start3A_15, %dma_start3A_16, %dma_start3A_17] : memref<8x128x64xf32, #tpu.memory_space<vmem>> -> memref<1x128x64xf32, #tpu.memory_space<vmem>>
    %dma_start3A_19 = tpu.memref_squeeze %dma_start3A_18 : memref<1x128x64xf32, #tpu.memory_space<vmem>> -> memref<128x64xf32, #tpu.memory_space<vmem>>
    %dma_start3A_20 = arith.constant 0 : i32
    %dma_start3A_21 = tpu.memref_slice %arg5[%dma_start3A_14, %dma_start3A_20] : memref<200x128xi32, #tpu.memory_space<vmem>> -> memref<1x128xi32, #tpu.memory_space<vmem>>
    %dma_start3A_22 = tpu.memref_squeeze %dma_start3A_21 : memref<1x128xi32, #tpu.memory_space<vmem>> -> memref<128xi32, #tpu.memory_space<vmem>>
    %dma_start3A_23 = arith.constant 0 : i32
    %dma_start3A_24 = arith.constant 0 : i32
    %dma_start3A_25 = tpu.memref_slice %arg2[%dma_start3A_23, %dma_start3A_24] : memref<1000000x64xf32, #tpu.memory_space<hbm>> -> memref<1000000x64xf32, #tpu.memory_space<hbm>>
    tpu.enqueue_indirect_dma source(%dma_start3A_25 : memref<1000000x64xf32, #tpu.memory_space<hbm>>) target(%dma_start3A_19 : memref<128x64xf32, #tpu.memory_space<vmem>>) offsets(%dma_start3A_22 : memref<128xi32, #tpu.memory_space<vmem>>) semaphore(%arg8 : memref<!tpu.dma_semaphore, #tpu.memory_space<semaphore_mem>>)
    %dma_start3A_26 = arith.constant 2 : i32
    %dma_start3A_27 = arith.constant 2 : i32
    %dma_start3A_28 = arith.constant 0 : i32
    %dma_start3A_29 = arith.constant 0 : i32
    %dma_start3A_30 = tpu.memref_slice %arg6[%dma_start3A_27, %dma_start3A_28, %dma_start3A_29] : memref<8x128x64xf32, #tpu.memory_space<vmem>> -> memref<1x128x64xf32, #tpu.memory_space<vmem>>
    %dma_start3A_31 = tpu.memref_squeeze %dma_start3A_30 : memref<1x128x64xf32, #tpu.memory_space<vmem>> -> memref<128x64xf32, #tpu.memory_space<vmem>>
    %dma_start3A_32 = arith.constant 0 : i32
    %dma_start3A_33 = tpu.memref_slice %arg5[%dma_start3A_26, %dma_start3A_32] : memref<200x128xi32, #tpu.memory_space<vmem>> -> memref<1x128xi32, #tpu.memory_space<vmem>>
    %dma_start3A_34 = tpu.memref_squeeze %dma_start3A_33 : memref<1x128xi32, #tpu.memory_space<vmem>> -> memref<128xi32, #tpu.memory_space<vmem>>
    %dma_start3A_35 = arith.constant 0 : i32
    %dma_start3A_36 = arith.constant 0 : i32
    %dma_start3A_37 = tpu.memref_slice %arg2[%dma_start3A_35, %dma_start3A_36] : memref<1000000x64xf32, #tpu.memory_space<hbm>> -> memref<1000000x64xf32, #tpu.memory_space<hbm>>
    tpu.enqueue_indirect_dma source(%dma_start3A_37 : memref<1000000x64xf32, #tpu.memory_space<hbm>>) target(%dma_start3A_31 : memref<128x64xf32, #tpu.memory_space<vmem>>) offsets(%dma_start3A_34 : memref<128xi32, #tpu.memory_space<vmem>>) semaphore(%arg9 : memref<!tpu.dma_semaphore, #tpu.memory_space<semaphore_mem>>)
    %dma_start3A_38 = arith.constant 3 : i32
    %dma_start3A_39 = arith.constant 3 : i32
    %dma_start3A_40 = arith.constant 0 : i32
    %dma_start3A_41 = arith.constant 0 : i32
    %dma_start3A_42 = tpu.memref_slice %arg6[%dma_start3A_39, %dma_start3A_40, %dma_start3A_41] : memref<8x128x64xf32, #tpu.memory_space<vmem>> -> memref<1x128x64xf32, #tpu.memory_space<vmem>>
    %dma_start3A_43 = tpu.memref_squeeze %dma_start3A_42 : memref<1x128x64xf32, #tpu.memory_space<vmem>> -> memref<128x64xf32, #tpu.memory_space<vmem>>
    %dma_start3A_44 = arith.constant 0 : i32
    %dma_start3A_45 = tpu.memref_slice %arg5[%dma_start3A_38, %dma_start3A_44] : memref<200x128xi32, #tpu.memory_space<vmem>> -> memref<1x128xi32, #tpu.memory_space<vmem>>
    %dma_start3A_46 = tpu.memref_squeeze %dma_start3A_45 : memref<1x128xi32, #tpu.memory_space<vmem>> -> memref<128xi32, #tpu.memory_space<vmem>>
    %dma_start3A_47 = arith.constant 0 : i32
    %dma_start3A_48 = arith.constant 0 : i32
    %dma_start3A_49 = tpu.memref_slice %arg2[%dma_start3A_47, %dma_start3A_48] : memref<1000000x64xf32, #tpu.memory_space<hbm>> -> memref<1000000x64xf32, #tpu.memory_space<hbm>>
    tpu.enqueue_indirect_dma source(%dma_start3A_49 : memref<1000000x64xf32, #tpu.memory_space<hbm>>) target(%dma_start3A_43 : memref<128x64xf32, #tpu.memory_space<vmem>>) offsets(%dma_start3A_46 : memref<128xi32, #tpu.memory_space<vmem>>) semaphore(%arg10 : memref<!tpu.dma_semaphore, #tpu.memory_space<semaphore_mem>>)
    %dma_start3A_50 = arith.constant 4 : i32
    %dma_start3A_51 = arith.constant 4 : i32
    %dma_start3A_52 = arith.constant 0 : i32
    %dma_start3A_53 = arith.constant 0 : i32
    %dma_start3A_54 = tpu.memref_slice %arg6[%dma_start3A_51, %dma_start3A_52, %dma_start3A_53] : memref<8x128x64xf32, #tpu.memory_space<vmem>> -> memref<1x128x64xf32, #tpu.memory_space<vmem>>
    %dma_start3A_55 = tpu.memref_squeeze %dma_start3A_54 : memref<1x128x64xf32, #tpu.memory_space<vmem>> -> memref<128x64xf32, #tpu.memory_space<vmem>>
    %dma_start3A_56 = arith.constant 0 : i32
    %dma_start3A_57 = tpu.memref_slice %arg5[%dma_start3A_50, %dma_start3A_56] : memref<200x128xi32, #tpu.memory_space<vmem>> -> memref<1x128xi32, #tpu.memory_space<vmem>>
    %dma_start3A_58 = tpu.memref_squeeze %dma_start3A_57 : memref<1x128xi32, #tpu.memory_space<vmem>> -> memref<128xi32, #tpu.memory_space<vmem>>
    %dma_start3A_59 = arith.constant 0 : i32
    %dma_start3A_60 = arith.constant 0 : i32
    %dma_start3A_61 = tpu.memref_slice %arg2[%dma_start3A_59, %dma_start3A_60] : memref<1000000x64xf32, #tpu.memory_space<hbm>> -> memref<1000000x64xf32, #tpu.memory_space<hbm>>
    tpu.enqueue_indirect_dma source(%dma_start3A_61 : memref<1000000x64xf32, #tpu.memory_space<hbm>>) target(%dma_start3A_55 : memref<128x64xf32, #tpu.memory_space<vmem>>) offsets(%dma_start3A_58 : memref<128xi32, #tpu.memory_space<vmem>>) semaphore(%arg11 : memref<!tpu.dma_semaphore, #tpu.memory_space<semaphore_mem>>)
    %dma_start3A_62 = arith.constant 5 : i32
    %dma_start3A_63 = arith.constant 5 : i32
    %dma_start3A_64 = arith.constant 0 : i32
    %dma_start3A_65 = arith.constant 0 : i32
    %dma_start3A_66 = tpu.memref_slice %arg6[%dma_start3A_63, %dma_start3A_64, %dma_start3A_65] : memref<8x128x64xf32, #tpu.memory_space<vmem>> -> memref<1x128x64xf32, #tpu.memory_space<vmem>>
    %dma_start3A_67 = tpu.memref_squeeze %dma_start3A_66 : memref<1x128x64xf32, #tpu.memory_space<vmem>> -> memref<128x64xf32, #tpu.memory_space<vmem>>
    %dma_start3A_68 = arith.constant 0 : i32
    %dma_start3A_69 = tpu.memref_slice %arg5[%dma_start3A_62, %dma_start3A_68] : memref<200x128xi32, #tpu.memory_space<vmem>> -> memref<1x128xi32, #tpu.memory_space<vmem>>
    %dma_start3A_70 = tpu.memref_squeeze %dma_start3A_69 : memref<1x128xi32, #tpu.memory_space<vmem>> -> memref<128xi32, #tpu.memory_space<vmem>>
    %dma_start3A_71 = arith.constant 0 : i32
    %dma_start3A_72 = arith.constant 0 : i32
    %dma_start3A_73 = tpu.memref_slice %arg2[%dma_start3A_71, %dma_start3A_72] : memref<1000000x64xf32, #tpu.memory_space<hbm>> -> memref<1000000x64xf32, #tpu.memory_space<hbm>>
    tpu.enqueue_indirect_dma source(%dma_start3A_73 : memref<1000000x64xf32, #tpu.memory_space<hbm>>) target(%dma_start3A_67 : memref<128x64xf32, #tpu.memory_space<vmem>>) offsets(%dma_start3A_70 : memref<128xi32, #tpu.memory_space<vmem>>) semaphore(%arg12 : memref<!tpu.dma_semaphore, #tpu.memory_space<semaphore_mem>>)
    %dma_start3A_74 = arith.constant 6 : i32
    %dma_start3A_75 = arith.constant 6 : i32
    %dma_start3A_76 = arith.constant 0 : i32
    %dma_start3A_77 = arith.constant 0 : i32
    %dma_start3A_78 = tpu.memref_slice %arg6[%dma_start3A_75, %dma_start3A_76, %dma_start3A_77] : memref<8x128x64xf32, #tpu.memory_space<vmem>> -> memref<1x128x64xf32, #tpu.memory_space<vmem>>
    %dma_start3A_79 = tpu.memref_squeeze %dma_start3A_78 : memref<1x128x64xf32, #tpu.memory_space<vmem>> -> memref<128x64xf32, #tpu.memory_space<vmem>>
    %dma_start3A_80 = arith.constant 0 : i32
    %dma_start3A_81 = tpu.memref_slice %arg5[%dma_start3A_74, %dma_start3A_80] : memref<200x128xi32, #tpu.memory_space<vmem>> -> memref<1x128xi32, #tpu.memory_space<vmem>>
    %dma_start3A_82 = tpu.memref_squeeze %dma_start3A_81 : memref<1x128xi32, #tpu.memory_space<vmem>> -> memref<128xi32, #tpu.memory_space<vmem>>
    %dma_start3A_83 = arith.constant 0 : i32
    %dma_start3A_84 = arith.constant 0 : i32
    %dma_start3A_85 = tpu.memref_slice %arg2[%dma_start3A_83, %dma_start3A_84] : memref<1000000x64xf32, #tpu.memory_space<hbm>> -> memref<1000000x64xf32, #tpu.memory_space<hbm>>
    tpu.enqueue_indirect_dma source(%dma_start3A_85 : memref<1000000x64xf32, #tpu.memory_space<hbm>>) target(%dma_start3A_79 : memref<128x64xf32, #tpu.memory_space<vmem>>) offsets(%dma_start3A_82 : memref<128xi32, #tpu.memory_space<vmem>>) semaphore(%arg13 : memref<!tpu.dma_semaphore, #tpu.memory_space<semaphore_mem>>)
    %dma_start3A_86 = arith.constant 7 : i32
    %dma_start3A_87 = arith.constant 7 : i32
    %dma_start3A_88 = arith.constant 0 : i32
    %dma_start3A_89 = arith.constant 0 : i32
    %dma_start3A_90 = tpu.memref_slice %arg6[%dma_start3A_87, %dma_start3A_88, %dma_start3A_89] : memref<8x128x64xf32, #tpu.memory_space<vmem>> -> memref<1x128x64xf32, #tpu.memory_space<vmem>>
    %dma_start3A_91 = tpu.memref_squeeze %dma_start3A_90 : memref<1x128x64xf32, #tpu.memory_space<vmem>> -> memref<128x64xf32, #tpu.memory_space<vmem>>
    %dma_start3A_92 = arith.constant 0 : i32
    %dma_start3A_93 = tpu.memref_slice %arg5[%dma_start3A_86, %dma_start3A_92] : memref<200x128xi32, #tpu.memory_space<vmem>> -> memref<1x128xi32, #tpu.memory_space<vmem>>
    %dma_start3A_94 = tpu.memref_squeeze %dma_start3A_93 : memref<1x128xi32, #tpu.memory_space<vmem>> -> memref<128xi32, #tpu.memory_space<vmem>>
    %dma_start3A_95 = arith.constant 0 : i32
    %dma_start3A_96 = arith.constant 0 : i32
    %dma_start3A_97 = tpu.memref_slice %arg2[%dma_start3A_95, %dma_start3A_96] : memref<1000000x64xf32, #tpu.memory_space<hbm>> -> memref<1000000x64xf32, #tpu.memory_space<hbm>>
    tpu.enqueue_indirect_dma source(%dma_start3A_97 : memref<1000000x64xf32, #tpu.memory_space<hbm>>) target(%dma_start3A_91 : memref<128x64xf32, #tpu.memory_space<vmem>>) offsets(%dma_start3A_94 : memref<128xi32, #tpu.memory_space<vmem>>) semaphore(%arg14 : memref<!tpu.dma_semaphore, #tpu.memory_space<semaphore_mem>>)
    %scan3A = arith.constant 0 : i32
    %scan3A_98 = arith.constant 0 : i32
    %scan3A_99 = arith.constant 25 : i32
    %scan3A_100 = arith.addi %scan3A_98, %scan3A_99 : i32
    %scan3A_101 = arith.constant 1 : i32
    scf.for %scan3A_222 = %scan3A_98 to %scan3A_100 step %scan3A_101  : i32 {
      %mul3A_223 = arith.constant 8 : i32
      %mul3A_224 = arith.muli %mul3A_223, %scan3A_222 : i32
      %add3A_225 = arith.constant 0 : i32
      %add3A_226 = arith.addi %mul3A_224, %add3A_225 : i32
      %dma_wait3A_227 = arith.constant 0 : i32
      %dma_wait3A_228 = arith.constant 0 : i32
      %dma_wait3A_229 = arith.constant 0 : i32
      %dma_wait3A_230 = tpu.memref_slice %arg6[%dma_wait3A_227, %dma_wait3A_228, %dma_wait3A_229] : memref<8x128x64xf32, #tpu.memory_space<vmem>> -> memref<1x128x64xf32, #tpu.memory_space<vmem>>
      %dma_wait3A_231 = tpu.memref_squeeze %dma_wait3A_230 : memref<1x128x64xf32, #tpu.memory_space<vmem>> -> memref<128x64xf32, #tpu.memory_space<vmem>>
      %dma_wait3A_232 = arith.constant 0 : i32
      %dma_wait3A_233 = tpu.memref_slice %arg5[%add3A_226, %dma_wait3A_232] : memref<200x128xi32, #tpu.memory_space<vmem>> -> memref<1x128xi32, #tpu.memory_space<vmem>>
      %dma_wait3A_234 = tpu.memref_squeeze %dma_wait3A_233 : memref<1x128xi32, #tpu.memory_space<vmem>> -> memref<128xi32, #tpu.memory_space<vmem>>
      %dma_wait3A_235 = arith.constant 0 : i32
      %dma_wait3A_236 = arith.constant 0 : i32
      %dma_wait3A_237 = tpu.memref_slice %arg2[%dma_wait3A_235, %dma_wait3A_236] : memref<1000000x64xf32, #tpu.memory_space<hbm>> -> memref<1000000x64xf32, #tpu.memory_space<hbm>>
      tpu.wait_indirect_dma semaphore(%arg7 : memref<!tpu.dma_semaphore, #tpu.memory_space<semaphore_mem>>) src(%dma_wait3A_237 : memref<1000000x64xf32, #tpu.memory_space<hbm>>) dst(%dma_wait3A_231 : memref<128x64xf32, #tpu.memory_space<vmem>>)
      %add3A_238 = arith.constant 0 : i32
      %add3A_239 = arith.addi %mul3A_224, %add3A_238 : i32
      %mul3A_240 = arith.constant 128 : i32
      %mul3A_241 = arith.muli %add3A_239, %mul3A_240 : i32
      %add3A_242 = arith.addi %mul3A_2, %mul3A_241 : i32
      %dma_start3A_243 = arith.constant 0 : i32
      %dma_start3A_244 = arith.constant 0 : i32
      %dma_start3A_245 = arith.constant 0 : i32
      %dma_start3A_246 = tpu.memref_slice %arg6[%dma_start3A_243, %dma_start3A_244, %dma_start3A_245] : memref<8x128x64xf32, #tpu.memory_space<vmem>> -> memref<1x128x64xf32, #tpu.memory_space<vmem>>
      %dma_start3A_247 = tpu.memref_squeeze %dma_start3A_246 : memref<1x128x64xf32, #tpu.memory_space<vmem>> -> memref<128x64xf32, #tpu.memory_space<vmem>>
      %dma_start3A_248 = arith.constant 0 : i32
      %dma_start3A_249 = tpu.memref_slice %arg4[%add3A_242, %dma_start3A_248] : memref<819200x64xf32, #tpu.memory_space<hbm>> -> memref<128x64xf32, #tpu.memory_space<hbm>>
      %dma_start3A_250 = arith.constant 0 : i32
      %dma_start3A_251 = tpu.memref_slice %arg4[%add3A_242, %dma_start3A_250] : memref<819200x64xf32, #tpu.memory_space<hbm>> -> memref<128x64xf32, #tpu.memory_space<hbm>>
      %dma_start3A_252 = arith.constant 0 : i32
      %dma_start3A_253 = arith.constant 0 : i32
      %dma_start3A_254 = tpu.memref_slice %arg6[%dma_start3A_243, %dma_start3A_252, %dma_start3A_253] : memref<8x128x64xf32, #tpu.memory_space<vmem>> -> memref<1x128x64xf32, #tpu.memory_space<vmem>>
      %dma_start3A_255 = tpu.memref_squeeze %dma_start3A_254 : memref<1x128x64xf32, #tpu.memory_space<vmem>> -> memref<128x64xf32, #tpu.memory_space<vmem>>
      tpu.enqueue_dma source(%dma_start3A_255 : memref<128x64xf32, #tpu.memory_space<vmem>>) target(%dma_start3A_251 : memref<128x64xf32, #tpu.memory_space<hbm>>) target_semaphore(%arg15 : memref<!tpu.dma_semaphore, #tpu.memory_space<semaphore_mem>>)
      %add3A_256 = arith.constant 1 : i32
      %add3A_257 = arith.addi %mul3A_224, %add3A_256 : i32
      %dma_wait3A_258 = arith.constant 1 : i32
      %dma_wait3A_259 = arith.constant 0 : i32
      %dma_wait3A_260 = arith.constant 0 : i32
      %dma_wait3A_261 = tpu.memref_slice %arg6[%dma_wait3A_258, %dma_wait3A_259, %dma_wait3A_260] : memref<8x128x64xf32, #tpu.memory_space<vmem>> -> memref<1x128x64xf32, #tpu.memory_space<vmem>>
      %dma_wait3A_262 = tpu.memref_squeeze %dma_wait3A_261 : memref<1x128x64xf32, #tpu.memory_space<vmem>> -> memref<128x64xf32, #tpu.memory_space<vmem>>
      %dma_wait3A_263 = arith.constant 0 : i32
      %dma_wait3A_264 = tpu.memref_slice %arg5[%add3A_257, %dma_wait3A_263] : memref<200x128xi32, #tpu.memory_space<vmem>> -> memref<1x128xi32, #tpu.memory_space<vmem>>
      %dma_wait3A_265 = tpu.memref_squeeze %dma_wait3A_264 : memref<1x128xi32, #tpu.memory_space<vmem>> -> memref<128xi32, #tpu.memory_space<vmem>>
      %dma_wait3A_266 = arith.constant 0 : i32
      %dma_wait3A_267 = arith.constant 0 : i32
      %dma_wait3A_268 = tpu.memref_slice %arg2[%dma_wait3A_266, %dma_wait3A_267] : memref<1000000x64xf32, #tpu.memory_space<hbm>> -> memref<1000000x64xf32, #tpu.memory_space<hbm>>
      tpu.wait_indirect_dma semaphore(%arg8 : memref<!tpu.dma_semaphore, #tpu.memory_space<semaphore_mem>>) src(%dma_wait3A_268 : memref<1000000x64xf32, #tpu.memory_space<hbm>>) dst(%dma_wait3A_262 : memref<128x64xf32, #tpu.memory_space<vmem>>)
      %add3A_269 = arith.constant 1 : i32
      %add3A_270 = arith.addi %mul3A_224, %add3A_269 : i32
      %mul3A_271 = arith.constant 128 : i32
      %mul3A_272 = arith.muli %add3A_270, %mul3A_271 : i32
      %add3A_273 = arith.addi %mul3A_2, %mul3A_272 : i32
      %dma_start3A_274 = arith.constant 1 : i32
      %dma_start3A_275 = arith.constant 0 : i32
      %dma_start3A_276 = arith.constant 0 : i32
      %dma_start3A_277 = tpu.memref_slice %arg6[%dma_start3A_274, %dma_start3A_275, %dma_start3A_276] : memref<8x128x64xf32, #tpu.memory_space<vmem>> -> memref<1x128x64xf32, #tpu.memory_space<vmem>>
      %dma_start3A_278 = tpu.memref_squeeze %dma_start3A_277 : memref<1x128x64xf32, #tpu.memory_space<vmem>> -> memref<128x64xf32, #tpu.memory_space<vmem>>
      %dma_start3A_279 = arith.constant 0 : i32
      %dma_start3A_280 = tpu.memref_slice %arg4[%add3A_273, %dma_start3A_279] : memref<819200x64xf32, #tpu.memory_space<hbm>> -> memref<128x64xf32, #tpu.memory_space<hbm>>
      %dma_start3A_281 = arith.constant 0 : i32
      %dma_start3A_282 = tpu.memref_slice %arg4[%add3A_273, %dma_start3A_281] : memref<819200x64xf32, #tpu.memory_space<hbm>> -> memref<128x64xf32, #tpu.memory_space<hbm>>
      %dma_start3A_283 = arith.constant 0 : i32
      %dma_start3A_284 = arith.constant 0 : i32
      %dma_start3A_285 = tpu.memref_slice %arg6[%dma_start3A_274, %dma_start3A_283, %dma_start3A_284] : memref<8x128x64xf32, #tpu.memory_space<vmem>> -> memref<1x128x64xf32, #tpu.memory_space<vmem>>
      %dma_start3A_286 = tpu.memref_squeeze %dma_start3A_285 : memref<1x128x64xf32, #tpu.memory_space<vmem>> -> memref<128x64xf32, #tpu.memory_space<vmem>>
      tpu.enqueue_dma source(%dma_start3A_286 : memref<128x64xf32, #tpu.memory_space<vmem>>) target(%dma_start3A_282 : memref<128x64xf32, #tpu.memory_space<hbm>>) target_semaphore(%arg16 : memref<!tpu.dma_semaphore, #tpu.memory_space<semaphore_mem>>)
      %add3A_287 = arith.constant 2 : i32
      %add3A_288 = arith.addi %mul3A_224, %add3A_287 : i32
      %dma_wait3A_289 = arith.constant 2 : i32
      %dma_wait3A_290 = arith.constant 0 : i32
      %dma_wait3A_291 = arith.constant 0 : i32
      %dma_wait3A_292 = tpu.memref_slice %arg6[%dma_wait3A_289, %dma_wait3A_290, %dma_wait3A_291] : memref<8x128x64xf32, #tpu.memory_space<vmem>> -> memref<1x128x64xf32, #tpu.memory_space<vmem>>
      %dma_wait3A_293 = tpu.memref_squeeze %dma_wait3A_292 : memref<1x128x64xf32, #tpu.memory_space<vmem>> -> memref<128x64xf32, #tpu.memory_space<vmem>>
      %dma_wait3A_294 = arith.constant 0 : i32
      %dma_wait3A_295 = tpu.memref_slice %arg5[%add3A_288, %dma_wait3A_294] : memref<200x128xi32, #tpu.memory_space<vmem>> -> memref<1x128xi32, #tpu.memory_space<vmem>>
      %dma_wait3A_296 = tpu.memref_squeeze %dma_wait3A_295 : memref<1x128xi32, #tpu.memory_space<vmem>> -> memref<128xi32, #tpu.memory_space<vmem>>
      %dma_wait3A_297 = arith.constant 0 : i32
      %dma_wait3A_298 = arith.constant 0 : i32
      %dma_wait3A_299 = tpu.memref_slice %arg2[%dma_wait3A_297, %dma_wait3A_298] : memref<1000000x64xf32, #tpu.memory_space<hbm>> -> memref<1000000x64xf32, #tpu.memory_space<hbm>>
      tpu.wait_indirect_dma semaphore(%arg9 : memref<!tpu.dma_semaphore, #tpu.memory_space<semaphore_mem>>) src(%dma_wait3A_299 : memref<1000000x64xf32, #tpu.memory_space<hbm>>) dst(%dma_wait3A_293 : memref<128x64xf32, #tpu.memory_space<vmem>>)
      %add3A_300 = arith.constant 2 : i32
      %add3A_301 = arith.addi %mul3A_224, %add3A_300 : i32
      %mul3A_302 = arith.constant 128 : i32
      %mul3A_303 = arith.muli %add3A_301, %mul3A_302 : i32
      %add3A_304 = arith.addi %mul3A_2, %mul3A_303 : i32
      %dma_start3A_305 = arith.constant 2 : i32
      %dma_start3A_306 = arith.constant 0 : i32
      %dma_start3A_307 = arith.constant 0 : i32
      %dma_start3A_308 = tpu.memref_slice %arg6[%dma_start3A_305, %dma_start3A_306, %dma_start3A_307] : memref<8x128x64xf32, #tpu.memory_space<vmem>> -> memref<1x128x64xf32, #tpu.memory_space<vmem>>
      %dma_start3A_309 = tpu.memref_squeeze %dma_start3A_308 : memref<1x128x64xf32, #tpu.memory_space<vmem>> -> memref<128x64xf32, #tpu.memory_space<vmem>>
      %dma_start3A_310 = arith.constant 0 : i32
      %dma_start3A_311 = tpu.memref_slice %arg4[%add3A_304, %dma_start3A_310] : memref<819200x64xf32, #tpu.memory_space<hbm>> -> memref<128x64xf32, #tpu.memory_space<hbm>>
      %dma_start3A_312 = arith.constant 0 : i32
      %dma_start3A_313 = tpu.memref_slice %arg4[%add3A_304, %dma_start3A_312] : memref<819200x64xf32, #tpu.memory_space<hbm>> -> memref<128x64xf32, #tpu.memory_space<hbm>>
      %dma_start3A_314 = arith.constant 0 : i32
      %dma_start3A_315 = arith.constant 0 : i32
      %dma_start3A_316 = tpu.memref_slice %arg6[%dma_start3A_305, %dma_start3A_314, %dma_start3A_315] : memref<8x128x64xf32, #tpu.memory_space<vmem>> -> memref<1x128x64xf32, #tpu.memory_space<vmem>>
      %dma_start3A_317 = tpu.memref_squeeze %dma_start3A_316 : memref<1x128x64xf32, #tpu.memory_space<vmem>> -> memref<128x64xf32, #tpu.memory_space<vmem>>
      tpu.enqueue_dma source(%dma_start3A_317 : memref<128x64xf32, #tpu.memory_space<vmem>>) target(%dma_start3A_313 : memref<128x64xf32, #tpu.memory_space<hbm>>) target_semaphore(%arg17 : memref<!tpu.dma_semaphore, #tpu.memory_space<semaphore_mem>>)
      %add3A_318 = arith.constant 3 : i32
      %add3A_319 = arith.addi %mul3A_224, %add3A_318 : i32
      %dma_wait3A_320 = arith.constant 3 : i32
      %dma_wait3A_321 = arith.constant 0 : i32
      %dma_wait3A_322 = arith.constant 0 : i32
      %dma_wait3A_323 = tpu.memref_slice %arg6[%dma_wait3A_320, %dma_wait3A_321, %dma_wait3A_322] : memref<8x128x64xf32, #tpu.memory_space<vmem>> -> memref<1x128x64xf32, #tpu.memory_space<vmem>>
      %dma_wait3A_324 = tpu.memref_squeeze %dma_wait3A_323 : memref<1x128x64xf32, #tpu.memory_space<vmem>> -> memref<128x64xf32, #tpu.memory_space<vmem>>
      %dma_wait3A_325 = arith.constant 0 : i32
      %dma_wait3A_326 = tpu.memref_slice %arg5[%add3A_319, %dma_wait3A_325] : memref<200x128xi32, #tpu.memory_space<vmem>> -> memref<1x128xi32, #tpu.memory_space<vmem>>
      %dma_wait3A_327 = tpu.memref_squeeze %dma_wait3A_326 : memref<1x128xi32, #tpu.memory_space<vmem>> -> memref<128xi32, #tpu.memory_space<vmem>>
      %dma_wait3A_328 = arith.constant 0 : i32
      %dma_wait3A_329 = arith.constant 0 : i32
      %dma_wait3A_330 = tpu.memref_slice %arg2[%dma_wait3A_328, %dma_wait3A_329] : memref<1000000x64xf32, #tpu.memory_space<hbm>> -> memref<1000000x64xf32, #tpu.memory_space<hbm>>
      tpu.wait_indirect_dma semaphore(%arg10 : memref<!tpu.dma_semaphore, #tpu.memory_space<semaphore_mem>>) src(%dma_wait3A_330 : memref<1000000x64xf32, #tpu.memory_space<hbm>>) dst(%dma_wait3A_324 : memref<128x64xf32, #tpu.memory_space<vmem>>)
      %add3A_331 = arith.constant 3 : i32
      %add3A_332 = arith.addi %mul3A_224, %add3A_331 : i32
      %mul3A_333 = arith.constant 128 : i32
      %mul3A_334 = arith.muli %add3A_332, %mul3A_333 : i32
      %add3A_335 = arith.addi %mul3A_2, %mul3A_334 : i32
      %dma_start3A_336 = arith.constant 3 : i32
      %dma_start3A_337 = arith.constant 0 : i32
      %dma_start3A_338 = arith.constant 0 : i32
      %dma_start3A_339 = tpu.memref_slice %arg6[%dma_start3A_336, %dma_start3A_337, %dma_start3A_338] : memref<8x128x64xf32, #tpu.memory_space<vmem>> -> memref<1x128x64xf32, #tpu.memory_space<vmem>>
      %dma_start3A_340 = tpu.memref_squeeze %dma_start3A_339 : memref<1x128x64xf32, #tpu.memory_space<vmem>> -> memref<128x64xf32, #tpu.memory_space<vmem>>
      %dma_start3A_341 = arith.constant 0 : i32
      %dma_start3A_342 = tpu.memref_slice %arg4[%add3A_335, %dma_start3A_341] : memref<819200x64xf32, #tpu.memory_space<hbm>> -> memref<128x64xf32, #tpu.memory_space<hbm>>
      %dma_start3A_343 = arith.constant 0 : i32
      %dma_start3A_344 = tpu.memref_slice %arg4[%add3A_335, %dma_start3A_343] : memref<819200x64xf32, #tpu.memory_space<hbm>> -> memref<128x64xf32, #tpu.memory_space<hbm>>
      %dma_start3A_345 = arith.constant 0 : i32
      %dma_start3A_346 = arith.constant 0 : i32
      %dma_start3A_347 = tpu.memref_slice %arg6[%dma_start3A_336, %dma_start3A_345, %dma_start3A_346] : memref<8x128x64xf32, #tpu.memory_space<vmem>> -> memref<1x128x64xf32, #tpu.memory_space<vmem>>
      %dma_start3A_348 = tpu.memref_squeeze %dma_start3A_347 : memref<1x128x64xf32, #tpu.memory_space<vmem>> -> memref<128x64xf32, #tpu.memory_space<vmem>>
      tpu.enqueue_dma source(%dma_start3A_348 : memref<128x64xf32, #tpu.memory_space<vmem>>) target(%dma_start3A_344 : memref<128x64xf32, #tpu.memory_space<hbm>>) target_semaphore(%arg18 : memref<!tpu.dma_semaphore, #tpu.memory_space<semaphore_mem>>)
      %add3A_349 = arith.constant 4 : i32
      %add3A_350 = arith.addi %mul3A_224, %add3A_349 : i32
      %dma_wait3A_351 = arith.constant 4 : i32
      %dma_wait3A_352 = arith.constant 0 : i32
      %dma_wait3A_353 = arith.constant 0 : i32
      %dma_wait3A_354 = tpu.memref_slice %arg6[%dma_wait3A_351, %dma_wait3A_352, %dma_wait3A_353] : memref<8x128x64xf32, #tpu.memory_space<vmem>> -> memref<1x128x64xf32, #tpu.memory_space<vmem>>
      %dma_wait3A_355 = tpu.memref_squeeze %dma_wait3A_354 : memref<1x128x64xf32, #tpu.memory_space<vmem>> -> memref<128x64xf32, #tpu.memory_space<vmem>>
      %dma_wait3A_356 = arith.constant 0 : i32
      %dma_wait3A_357 = tpu.memref_slice %arg5[%add3A_350, %dma_wait3A_356] : memref<200x128xi32, #tpu.memory_space<vmem>> -> memref<1x128xi32, #tpu.memory_space<vmem>>
      %dma_wait3A_358 = tpu.memref_squeeze %dma_wait3A_357 : memref<1x128xi32, #tpu.memory_space<vmem>> -> memref<128xi32, #tpu.memory_space<vmem>>
      %dma_wait3A_359 = arith.constant 0 : i32
      %dma_wait3A_360 = arith.constant 0 : i32
      %dma_wait3A_361 = tpu.memref_slice %arg2[%dma_wait3A_359, %dma_wait3A_360] : memref<1000000x64xf32, #tpu.memory_space<hbm>> -> memref<1000000x64xf32, #tpu.memory_space<hbm>>
      tpu.wait_indirect_dma semaphore(%arg11 : memref<!tpu.dma_semaphore, #tpu.memory_space<semaphore_mem>>) src(%dma_wait3A_361 : memref<1000000x64xf32, #tpu.memory_space<hbm>>) dst(%dma_wait3A_355 : memref<128x64xf32, #tpu.memory_space<vmem>>)
      %add3A_362 = arith.constant 4 : i32
      %add3A_363 = arith.addi %mul3A_224, %add3A_362 : i32
      %mul3A_364 = arith.constant 128 : i32
      %mul3A_365 = arith.muli %add3A_363, %mul3A_364 : i32
      %add3A_366 = arith.addi %mul3A_2, %mul3A_365 : i32
      %dma_start3A_367 = arith.constant 4 : i32
      %dma_start3A_368 = arith.constant 0 : i32
      %dma_start3A_369 = arith.constant 0 : i32
      %dma_start3A_370 = tpu.memref_slice %arg6[%dma_start3A_367, %dma_start3A_368, %dma_start3A_369] : memref<8x128x64xf32, #tpu.memory_space<vmem>> -> memref<1x128x64xf32, #tpu.memory_space<vmem>>
      %dma_start3A_371 = tpu.memref_squeeze %dma_start3A_370 : memref<1x128x64xf32, #tpu.memory_space<vmem>> -> memref<128x64xf32, #tpu.memory_space<vmem>>
      %dma_start3A_372 = arith.constant 0 : i32
      %dma_start3A_373 = tpu.memref_slice %arg4[%add3A_366, %dma_start3A_372] : memref<819200x64xf32, #tpu.memory_space<hbm>> -> memref<128x64xf32, #tpu.memory_space<hbm>>
      %dma_start3A_374 = arith.constant 0 : i32
      %dma_start3A_375 = tpu.memref_slice %arg4[%add3A_366, %dma_start3A_374] : memref<819200x64xf32, #tpu.memory_space<hbm>> -> memref<128x64xf32, #tpu.memory_space<hbm>>
      %dma_start3A_376 = arith.constant 0 : i32
      %dma_start3A_377 = arith.constant 0 : i32
      %dma_start3A_378 = tpu.memref_slice %arg6[%dma_start3A_367, %dma_start3A_376, %dma_start3A_377] : memref<8x128x64xf32, #tpu.memory_space<vmem>> -> memref<1x128x64xf32, #tpu.memory_space<vmem>>
      %dma_start3A_379 = tpu.memref_squeeze %dma_start3A_378 : memref<1x128x64xf32, #tpu.memory_space<vmem>> -> memref<128x64xf32, #tpu.memory_space<vmem>>
      tpu.enqueue_dma source(%dma_start3A_379 : memref<128x64xf32, #tpu.memory_space<vmem>>) target(%dma_start3A_375 : memref<128x64xf32, #tpu.memory_space<hbm>>) target_semaphore(%arg19 : memref<!tpu.dma_semaphore, #tpu.memory_space<semaphore_mem>>)
      %add3A_380 = arith.constant 5 : i32
      %add3A_381 = arith.addi %mul3A_224, %add3A_380 : i32
      %dma_wait3A_382 = arith.constant 5 : i32
      %dma_wait3A_383 = arith.constant 0 : i32
      %dma_wait3A_384 = arith.constant 0 : i32
      %dma_wait3A_385 = tpu.memref_slice %arg6[%dma_wait3A_382, %dma_wait3A_383, %dma_wait3A_384] : memref<8x128x64xf32, #tpu.memory_space<vmem>> -> memref<1x128x64xf32, #tpu.memory_space<vmem>>
      %dma_wait3A_386 = tpu.memref_squeeze %dma_wait3A_385 : memref<1x128x64xf32, #tpu.memory_space<vmem>> -> memref<128x64xf32, #tpu.memory_space<vmem>>
      %dma_wait3A_387 = arith.constant 0 : i32
      %dma_wait3A_388 = tpu.memref_slice %arg5[%add3A_381, %dma_wait3A_387] : memref<200x128xi32, #tpu.memory_space<vmem>> -> memref<1x128xi32, #tpu.memory_space<vmem>>
      %dma_wait3A_389 = tpu.memref_squeeze %dma_wait3A_388 : memref<1x128xi32, #tpu.memory_space<vmem>> -> memref<128xi32, #tpu.memory_space<vmem>>
      %dma_wait3A_390 = arith.constant 0 : i32
      %dma_wait3A_391 = arith.constant 0 : i32
      %dma_wait3A_392 = tpu.memref_slice %arg2[%dma_wait3A_390, %dma_wait3A_391] : memref<1000000x64xf32, #tpu.memory_space<hbm>> -> memref<1000000x64xf32, #tpu.memory_space<hbm>>
      tpu.wait_indirect_dma semaphore(%arg12 : memref<!tpu.dma_semaphore, #tpu.memory_space<semaphore_mem>>) src(%dma_wait3A_392 : memref<1000000x64xf32, #tpu.memory_space<hbm>>) dst(%dma_wait3A_386 : memref<128x64xf32, #tpu.memory_space<vmem>>)
      %add3A_393 = arith.constant 5 : i32
      %add3A_394 = arith.addi %mul3A_224, %add3A_393 : i32
      %mul3A_395 = arith.constant 128 : i32
      %mul3A_396 = arith.muli %add3A_394, %mul3A_395 : i32
      %add3A_397 = arith.addi %mul3A_2, %mul3A_396 : i32
      %dma_start3A_398 = arith.constant 5 : i32
      %dma_start3A_399 = arith.constant 0 : i32
      %dma_start3A_400 = arith.constant 0 : i32
      %dma_start3A_401 = tpu.memref_slice %arg6[%dma_start3A_398, %dma_start3A_399, %dma_start3A_400] : memref<8x128x64xf32, #tpu.memory_space<vmem>> -> memref<1x128x64xf32, #tpu.memory_space<vmem>>
      %dma_start3A_402 = tpu.memref_squeeze %dma_start3A_401 : memref<1x128x64xf32, #tpu.memory_space<vmem>> -> memref<128x64xf32, #tpu.memory_space<vmem>>
      %dma_start3A_403 = arith.constant 0 : i32
      %dma_start3A_404 = tpu.memref_slice %arg4[%add3A_397, %dma_start3A_403] : memref<819200x64xf32, #tpu.memory_space<hbm>> -> memref<128x64xf32, #tpu.memory_space<hbm>>
      %dma_start3A_405 = arith.constant 0 : i32
      %dma_start3A_406 = tpu.memref_slice %arg4[%add3A_397, %dma_start3A_405] : memref<819200x64xf32, #tpu.memory_space<hbm>> -> memref<128x64xf32, #tpu.memory_space<hbm>>
      %dma_start3A_407 = arith.constant 0 : i32
      %dma_start3A_408 = arith.constant 0 : i32
      %dma_start3A_409 = tpu.memref_slice %arg6[%dma_start3A_398, %dma_start3A_407, %dma_start3A_408] : memref<8x128x64xf32, #tpu.memory_space<vmem>> -> memref<1x128x64xf32, #tpu.memory_space<vmem>>
      %dma_start3A_410 = tpu.memref_squeeze %dma_start3A_409 : memref<1x128x64xf32, #tpu.memory_space<vmem>> -> memref<128x64xf32, #tpu.memory_space<vmem>>
      tpu.enqueue_dma source(%dma_start3A_410 : memref<128x64xf32, #tpu.memory_space<vmem>>) target(%dma_start3A_406 : memref<128x64xf32, #tpu.memory_space<hbm>>) target_semaphore(%arg20 : memref<!tpu.dma_semaphore, #tpu.memory_space<semaphore_mem>>)
      %add3A_411 = arith.constant 6 : i32
      %add3A_412 = arith.addi %mul3A_224, %add3A_411 : i32
      %dma_wait3A_413 = arith.constant 6 : i32
      %dma_wait3A_414 = arith.constant 0 : i32
      %dma_wait3A_415 = arith.constant 0 : i32
      %dma_wait3A_416 = tpu.memref_slice %arg6[%dma_wait3A_413, %dma_wait3A_414, %dma_wait3A_415] : memref<8x128x64xf32, #tpu.memory_space<vmem>> -> memref<1x128x64xf32, #tpu.memory_space<vmem>>
      %dma_wait3A_417 = tpu.memref_squeeze %dma_wait3A_416 : memref<1x128x64xf32, #tpu.memory_space<vmem>> -> memref<128x64xf32, #tpu.memory_space<vmem>>
      %dma_wait3A_418 = arith.constant 0 : i32
      %dma_wait3A_419 = tpu.memref_slice %arg5[%add3A_412, %dma_wait3A_418] : memref<200x128xi32, #tpu.memory_space<vmem>> -> memref<1x128xi32, #tpu.memory_space<vmem>>
      %dma_wait3A_420 = tpu.memref_squeeze %dma_wait3A_419 : memref<1x128xi32, #tpu.memory_space<vmem>> -> memref<128xi32, #tpu.memory_space<vmem>>
      %dma_wait3A_421 = arith.constant 0 : i32
      %dma_wait3A_422 = arith.constant 0 : i32
      %dma_wait3A_423 = tpu.memref_slice %arg2[%dma_wait3A_421, %dma_wait3A_422] : memref<1000000x64xf32, #tpu.memory_space<hbm>> -> memref<1000000x64xf32, #tpu.memory_space<hbm>>
      tpu.wait_indirect_dma semaphore(%arg13 : memref<!tpu.dma_semaphore, #tpu.memory_space<semaphore_mem>>) src(%dma_wait3A_423 : memref<1000000x64xf32, #tpu.memory_space<hbm>>) dst(%dma_wait3A_417 : memref<128x64xf32, #tpu.memory_space<vmem>>)
      %add3A_424 = arith.constant 6 : i32
      %add3A_425 = arith.addi %mul3A_224, %add3A_424 : i32
      %mul3A_426 = arith.constant 128 : i32
      %mul3A_427 = arith.muli %add3A_425, %mul3A_426 : i32
      %add3A_428 = arith.addi %mul3A_2, %mul3A_427 : i32
      %dma_start3A_429 = arith.constant 6 : i32
      %dma_start3A_430 = arith.constant 0 : i32
      %dma_start3A_431 = arith.constant 0 : i32
      %dma_start3A_432 = tpu.memref_slice %arg6[%dma_start3A_429, %dma_start3A_430, %dma_start3A_431] : memref<8x128x64xf32, #tpu.memory_space<vmem>> -> memref<1x128x64xf32, #tpu.memory_space<vmem>>
      %dma_start3A_433 = tpu.memref_squeeze %dma_start3A_432 : memref<1x128x64xf32, #tpu.memory_space<vmem>> -> memref<128x64xf32, #tpu.memory_space<vmem>>
      %dma_start3A_434 = arith.constant 0 : i32
      %dma_start3A_435 = tpu.memref_slice %arg4[%add3A_428, %dma_start3A_434] : memref<819200x64xf32, #tpu.memory_space<hbm>> -> memref<128x64xf32, #tpu.memory_space<hbm>>
      %dma_start3A_436 = arith.constant 0 : i32
      %dma_start3A_437 = tpu.memref_slice %arg4[%add3A_428, %dma_start3A_436] : memref<819200x64xf32, #tpu.memory_space<hbm>> -> memref<128x64xf32, #tpu.memory_space<hbm>>
      %dma_start3A_438 = arith.constant 0 : i32
      %dma_start3A_439 = arith.constant 0 : i32
      %dma_start3A_440 = tpu.memref_slice %arg6[%dma_start3A_429, %dma_start3A_438, %dma_start3A_439] : memref<8x128x64xf32, #tpu.memory_space<vmem>> -> memref<1x128x64xf32, #tpu.memory_space<vmem>>
      %dma_start3A_441 = tpu.memref_squeeze %dma_start3A_440 : memref<1x128x64xf32, #tpu.memory_space<vmem>> -> memref<128x64xf32, #tpu.memory_space<vmem>>
      tpu.enqueue_dma source(%dma_start3A_441 : memref<128x64xf32, #tpu.memory_space<vmem>>) target(%dma_start3A_437 : memref<128x64xf32, #tpu.memory_space<hbm>>) target_semaphore(%arg21 : memref<!tpu.dma_semaphore, #tpu.memory_space<semaphore_mem>>)
      %add3A_442 = arith.constant 7 : i32
      %add3A_443 = arith.addi %mul3A_224, %add3A_442 : i32
      %dma_wait3A_444 = arith.constant 7 : i32
      %dma_wait3A_445 = arith.constant 0 : i32
      %dma_wait3A_446 = arith.constant 0 : i32
      %dma_wait3A_447 = tpu.memref_slice %arg6[%dma_wait3A_444, %dma_wait3A_445, %dma_wait3A_446] : memref<8x128x64xf32, #tpu.memory_space<vmem>> -> memref<1x128x64xf32, #tpu.memory_space<vmem>>
      %dma_wait3A_448 = tpu.memref_squeeze %dma_wait3A_447 : memref<1x128x64xf32, #tpu.memory_space<vmem>> -> memref<128x64xf32, #tpu.memory_space<vmem>>
      %dma_wait3A_449 = arith.constant 0 : i32
      %dma_wait3A_450 = tpu.memref_slice %arg5[%add3A_443, %dma_wait3A_449] : memref<200x128xi32, #tpu.memory_space<vmem>> -> memref<1x128xi32, #tpu.memory_space<vmem>>
      %dma_wait3A_451 = tpu.memref_squeeze %dma_wait3A_450 : memref<1x128xi32, #tpu.memory_space<vmem>> -> memref<128xi32, #tpu.memory_space<vmem>>
      %dma_wait3A_452 = arith.constant 0 : i32
      %dma_wait3A_453 = arith.constant 0 : i32
      %dma_wait3A_454 = tpu.memref_slice %arg2[%dma_wait3A_452, %dma_wait3A_453] : memref<1000000x64xf32, #tpu.memory_space<hbm>> -> memref<1000000x64xf32, #tpu.memory_space<hbm>>
      tpu.wait_indirect_dma semaphore(%arg14 : memref<!tpu.dma_semaphore, #tpu.memory_space<semaphore_mem>>) src(%dma_wait3A_454 : memref<1000000x64xf32, #tpu.memory_space<hbm>>) dst(%dma_wait3A_448 : memref<128x64xf32, #tpu.memory_space<vmem>>)
      %add3A_455 = arith.constant 7 : i32
      %add3A_456 = arith.addi %mul3A_224, %add3A_455 : i32
      %mul3A_457 = arith.constant 128 : i32
      %mul3A_458 = arith.muli %add3A_456, %mul3A_457 : i32
      %add3A_459 = arith.addi %mul3A_2, %mul3A_458 : i32
      %dma_start3A_460 = arith.constant 7 : i32
      %dma_start3A_461 = arith.constant 0 : i32
      %dma_start3A_462 = arith.constant 0 : i32
      %dma_start3A_463 = tpu.memref_slice %arg6[%dma_start3A_460, %dma_start3A_461, %dma_start3A_462] : memref<8x128x64xf32, #tpu.memory_space<vmem>> -> memref<1x128x64xf32, #tpu.memory_space<vmem>>
      %dma_start3A_464 = tpu.memref_squeeze %dma_start3A_463 : memref<1x128x64xf32, #tpu.memory_space<vmem>> -> memref<128x64xf32, #tpu.memory_space<vmem>>
      %dma_start3A_465 = arith.constant 0 : i32
      %dma_start3A_466 = tpu.memref_slice %arg4[%add3A_459, %dma_start3A_465] : memref<819200x64xf32, #tpu.memory_space<hbm>> -> memref<128x64xf32, #tpu.memory_space<hbm>>
      %dma_start3A_467 = arith.constant 0 : i32
      %dma_start3A_468 = tpu.memref_slice %arg4[%add3A_459, %dma_start3A_467] : memref<819200x64xf32, #tpu.memory_space<hbm>> -> memref<128x64xf32, #tpu.memory_space<hbm>>
      %dma_start3A_469 = arith.constant 0 : i32
      %dma_start3A_470 = arith.constant 0 : i32
      %dma_start3A_471 = tpu.memref_slice %arg6[%dma_start3A_460, %dma_start3A_469, %dma_start3A_470] : memref<8x128x64xf32, #tpu.memory_space<vmem>> -> memref<1x128x64xf32, #tpu.memory_space<vmem>>
      %dma_start3A_472 = tpu.memref_squeeze %dma_start3A_471 : memref<1x128x64xf32, #tpu.memory_space<vmem>> -> memref<128x64xf32, #tpu.memory_space<vmem>>
      tpu.enqueue_dma source(%dma_start3A_472 : memref<128x64xf32, #tpu.memory_space<vmem>>) target(%dma_start3A_468 : memref<128x64xf32, #tpu.memory_space<hbm>>) target_semaphore(%arg22 : memref<!tpu.dma_semaphore, #tpu.memory_space<semaphore_mem>>)
      %add3A_473 = arith.constant 8 : i32
      %add3A_474 = arith.addi %mul3A_224, %add3A_473 : i32
      %add3A_475 = arith.constant 0 : i32
      %add3A_476 = arith.addi %add3A_474, %add3A_475 : i32
      %lt3A = arith.constant 200 : i32
      %lt3A_477 = arith.cmpi slt, %add3A_476, %lt3A : i32
      %convert_element_type3A = arith.extui %lt3A_477 : i1 to i32
      %cond3A = arith.constant 0 : i32
      %cond3A_478 = arith.cmpi ne, %convert_element_type3A, %cond3A : i32
      scf.if %cond3A_478 {
        %add3A_542 = arith.constant 0 : i32
        %add3A_543 = arith.addi %mul3A_224, %add3A_542 : i32
        %mul3A_544 = arith.constant 128 : i32
        %mul3A_545 = arith.muli %add3A_543, %mul3A_544 : i32
        %add3A_546 = arith.addi %mul3A_2, %mul3A_545 : i32
        %dma_wait3A_547 = arith.constant 0 : i32
        %dma_wait3A_548 = arith.constant 0 : i32
        %dma_wait3A_549 = arith.constant 0 : i32
        %dma_wait3A_550 = tpu.memref_slice %arg6[%dma_wait3A_547, %dma_wait3A_548, %dma_wait3A_549] : memref<8x128x64xf32, #tpu.memory_space<vmem>> -> memref<1x128x64xf32, #tpu.memory_space<vmem>>
        %dma_wait3A_551 = tpu.memref_squeeze %dma_wait3A_550 : memref<1x128x64xf32, #tpu.memory_space<vmem>> -> memref<128x64xf32, #tpu.memory_space<vmem>>
        %dma_wait3A_552 = arith.constant 0 : i32
        %dma_wait3A_553 = tpu.memref_slice %arg4[%add3A_546, %dma_wait3A_552] : memref<819200x64xf32, #tpu.memory_space<hbm>> -> memref<128x64xf32, #tpu.memory_space<hbm>>
        %dma_wait3A_554 = arith.constant 0 : i32
        %dma_wait3A_555 = tpu.memref_slice %arg4[%add3A_546, %dma_wait3A_554] : memref<819200x64xf32, #tpu.memory_space<hbm>> -> memref<128x64xf32, #tpu.memory_space<hbm>>
        %dma_wait3A_556 = arith.constant 0 : i32
        %dma_wait3A_557 = arith.constant 0 : i32
        %dma_wait3A_558 = tpu.memref_slice %arg6[%dma_wait3A_547, %dma_wait3A_556, %dma_wait3A_557] : memref<8x128x64xf32, #tpu.memory_space<vmem>> -> memref<1x128x64xf32, #tpu.memory_space<vmem>>
        %dma_wait3A_559 = tpu.memref_squeeze %dma_wait3A_558 : memref<1x128x64xf32, #tpu.memory_space<vmem>> -> memref<128x64xf32, #tpu.memory_space<vmem>>
        tpu.wait_dma2 semaphore(%arg15 : memref<!tpu.dma_semaphore, #tpu.memory_space<semaphore_mem>>) src(%dma_wait3A_559 : memref<128x64xf32, #tpu.memory_space<vmem>>) dst(%dma_wait3A_555 : memref<128x64xf32, #tpu.memory_space<hbm>>)
        %dma_start3A_560 = arith.constant 0 : i32
        %dma_start3A_561 = arith.constant 0 : i32
        %dma_start3A_562 = arith.constant 0 : i32
        %dma_start3A_563 = tpu.memref_slice %arg6[%dma_start3A_560, %dma_start3A_561, %dma_start3A_562] : memref<8x128x64xf32, #tpu.memory_space<vmem>> -> memref<1x128x64xf32, #tpu.memory_space<vmem>>
        %dma_start3A_564 = tpu.memref_squeeze %dma_start3A_563 : memref<1x128x64xf32, #tpu.memory_space<vmem>> -> memref<128x64xf32, #tpu.memory_space<vmem>>
        %dma_start3A_565 = arith.constant 0 : i32
        %dma_start3A_566 = tpu.memref_slice %arg5[%add3A_476, %dma_start3A_565] : memref<200x128xi32, #tpu.memory_space<vmem>> -> memref<1x128xi32, #tpu.memory_space<vmem>>
        %dma_start3A_567 = tpu.memref_squeeze %dma_start3A_566 : memref<1x128xi32, #tpu.memory_space<vmem>> -> memref<128xi32, #tpu.memory_space<vmem>>
        %dma_start3A_568 = arith.constant 0 : i32
        %dma_start3A_569 = arith.constant 0 : i32
        %dma_start3A_570 = tpu.memref_slice %arg2[%dma_start3A_568, %dma_start3A_569] : memref<1000000x64xf32, #tpu.memory_space<hbm>> -> memref<1000000x64xf32, #tpu.memory_space<hbm>>
        tpu.enqueue_indirect_dma source(%dma_start3A_570 : memref<1000000x64xf32, #tpu.memory_space<hbm>>) target(%dma_start3A_564 : memref<128x64xf32, #tpu.memory_space<vmem>>) offsets(%dma_start3A_567 : memref<128xi32, #tpu.memory_space<vmem>>) semaphore(%arg7 : memref<!tpu.dma_semaphore, #tpu.memory_space<semaphore_mem>>)
      } else {
      }
      %add3A_479 = arith.constant 8 : i32
      %add3A_480 = arith.addi %mul3A_224, %add3A_479 : i32
      %add3A_481 = arith.constant 1 : i32
      %add3A_482 = arith.addi %add3A_480, %add3A_481 : i32
      %lt3A_483 = arith.constant 200 : i32
      %lt3A_484 = arith.cmpi slt, %add3A_482, %lt3A_483 : i32
      %convert_element_type3A_485 = arith.extui %lt3A_484 : i1 to i32
      %cond3A_486 = arith.constant 0 : i32
      %cond3A_487 = arith.cmpi ne, %convert_element_type3A_485, %cond3A_486 : i32
      scf.if %cond3A_487 {
        %add3A_542 = arith.constant 1 : i32
        %add3A_543 = arith.addi %mul3A_224, %add3A_542 : i32
        %mul3A_544 = arith.constant 128 : i32
        %mul3A_545 = arith.muli %add3A_543, %mul3A_544 : i32
        %add3A_546 = arith.addi %mul3A_2, %mul3A_545 : i32
        %dma_wait3A_547 = arith.constant 1 : i32
        %dma_wait3A_548 = arith.constant 0 : i32
        %dma_wait3A_549 = arith.constant 0 : i32
        %dma_wait3A_550 = tpu.memref_slice %arg6[%dma_wait3A_547, %dma_wait3A_548, %dma_wait3A_549] : memref<8x128x64xf32, #tpu.memory_space<vmem>> -> memref<1x128x64xf32, #tpu.memory_space<vmem>>
        %dma_wait3A_551 = tpu.memref_squeeze %dma_wait3A_550 : memref<1x128x64xf32, #tpu.memory_space<vmem>> -> memref<128x64xf32, #tpu.memory_space<vmem>>
        %dma_wait3A_552 = arith.constant 0 : i32
        %dma_wait3A_553 = tpu.memref_slice %arg4[%add3A_546, %dma_wait3A_552] : memref<819200x64xf32, #tpu.memory_space<hbm>> -> memref<128x64xf32, #tpu.memory_space<hbm>>
        %dma_wait3A_554 = arith.constant 0 : i32
        %dma_wait3A_555 = tpu.memref_slice %arg4[%add3A_546, %dma_wait3A_554] : memref<819200x64xf32, #tpu.memory_space<hbm>> -> memref<128x64xf32, #tpu.memory_space<hbm>>
        %dma_wait3A_556 = arith.constant 0 : i32
        %dma_wait3A_557 = arith.constant 0 : i32
        %dma_wait3A_558 = tpu.memref_slice %arg6[%dma_wait3A_547, %dma_wait3A_556, %dma_wait3A_557] : memref<8x128x64xf32, #tpu.memory_space<vmem>> -> memref<1x128x64xf32, #tpu.memory_space<vmem>>
        %dma_wait3A_559 = tpu.memref_squeeze %dma_wait3A_558 : memref<1x128x64xf32, #tpu.memory_space<vmem>> -> memref<128x64xf32, #tpu.memory_space<vmem>>
        tpu.wait_dma2 semaphore(%arg16 : memref<!tpu.dma_semaphore, #tpu.memory_space<semaphore_mem>>) src(%dma_wait3A_559 : memref<128x64xf32, #tpu.memory_space<vmem>>) dst(%dma_wait3A_555 : memref<128x64xf32, #tpu.memory_space<hbm>>)
        %dma_start3A_560 = arith.constant 1 : i32
        %dma_start3A_561 = arith.constant 0 : i32
        %dma_start3A_562 = arith.constant 0 : i32
        %dma_start3A_563 = tpu.memref_slice %arg6[%dma_start3A_560, %dma_start3A_561, %dma_start3A_562] : memref<8x128x64xf32, #tpu.memory_space<vmem>> -> memref<1x128x64xf32, #tpu.memory_space<vmem>>
        %dma_start3A_564 = tpu.memref_squeeze %dma_start3A_563 : memref<1x128x64xf32, #tpu.memory_space<vmem>> -> memref<128x64xf32, #tpu.memory_space<vmem>>
        %dma_start3A_565 = arith.constant 0 : i32
        %dma_start3A_566 = tpu.memref_slice %arg5[%add3A_482, %dma_start3A_565] : memref<200x128xi32, #tpu.memory_space<vmem>> -> memref<1x128xi32, #tpu.memory_space<vmem>>
        %dma_start3A_567 = tpu.memref_squeeze %dma_start3A_566 : memref<1x128xi32, #tpu.memory_space<vmem>> -> memref<128xi32, #tpu.memory_space<vmem>>
        %dma_start3A_568 = arith.constant 0 : i32
        %dma_start3A_569 = arith.constant 0 : i32
        %dma_start3A_570 = tpu.memref_slice %arg2[%dma_start3A_568, %dma_start3A_569] : memref<1000000x64xf32, #tpu.memory_space<hbm>> -> memref<1000000x64xf32, #tpu.memory_space<hbm>>
        tpu.enqueue_indirect_dma source(%dma_start3A_570 : memref<1000000x64xf32, #tpu.memory_space<hbm>>) target(%dma_start3A_564 : memref<128x64xf32, #tpu.memory_space<vmem>>) offsets(%dma_start3A_567 : memref<128xi32, #tpu.memory_space<vmem>>) semaphore(%arg8 : memref<!tpu.dma_semaphore, #tpu.memory_space<semaphore_mem>>)
      } else {
      }
      %add3A_488 = arith.constant 8 : i32
      %add3A_489 = arith.addi %mul3A_224, %add3A_488 : i32
      %add3A_490 = arith.constant 2 : i32
      %add3A_491 = arith.addi %add3A_489, %add3A_490 : i32
      %lt3A_492 = arith.constant 200 : i32
      %lt3A_493 = arith.cmpi slt, %add3A_491, %lt3A_492 : i32
      %convert_element_type3A_494 = arith.extui %lt3A_493 : i1 to i32
      %cond3A_495 = arith.constant 0 : i32
      %cond3A_496 = arith.cmpi ne, %convert_element_type3A_494, %cond3A_495 : i32
      scf.if %cond3A_496 {
        %add3A_542 = arith.constant 2 : i32
        %add3A_543 = arith.addi %mul3A_224, %add3A_542 : i32
        %mul3A_544 = arith.constant 128 : i32
        %mul3A_545 = arith.muli %add3A_543, %mul3A_544 : i32
        %add3A_546 = arith.addi %mul3A_2, %mul3A_545 : i32
        %dma_wait3A_547 = arith.constant 2 : i32
        %dma_wait3A_548 = arith.constant 0 : i32
        %dma_wait3A_549 = arith.constant 0 : i32
        %dma_wait3A_550 = tpu.memref_slice %arg6[%dma_wait3A_547, %dma_wait3A_548, %dma_wait3A_549] : memref<8x128x64xf32, #tpu.memory_space<vmem>> -> memref<1x128x64xf32, #tpu.memory_space<vmem>>
        %dma_wait3A_551 = tpu.memref_squeeze %dma_wait3A_550 : memref<1x128x64xf32, #tpu.memory_space<vmem>> -> memref<128x64xf32, #tpu.memory_space<vmem>>
        %dma_wait3A_552 = arith.constant 0 : i32
        %dma_wait3A_553 = tpu.memref_slice %arg4[%add3A_546, %dma_wait3A_552] : memref<819200x64xf32, #tpu.memory_space<hbm>> -> memref<128x64xf32, #tpu.memory_space<hbm>>
        %dma_wait3A_554 = arith.constant 0 : i32
        %dma_wait3A_555 = tpu.memref_slice %arg4[%add3A_546, %dma_wait3A_554] : memref<819200x64xf32, #tpu.memory_space<hbm>> -> memref<128x64xf32, #tpu.memory_space<hbm>>
        %dma_wait3A_556 = arith.constant 0 : i32
        %dma_wait3A_557 = arith.constant 0 : i32
        %dma_wait3A_558 = tpu.memref_slice %arg6[%dma_wait3A_547, %dma_wait3A_556, %dma_wait3A_557] : memref<8x128x64xf32, #tpu.memory_space<vmem>> -> memref<1x128x64xf32, #tpu.memory_space<vmem>>
        %dma_wait3A_559 = tpu.memref_squeeze %dma_wait3A_558 : memref<1x128x64xf32, #tpu.memory_space<vmem>> -> memref<128x64xf32, #tpu.memory_space<vmem>>
        tpu.wait_dma2 semaphore(%arg17 : memref<!tpu.dma_semaphore, #tpu.memory_space<semaphore_mem>>) src(%dma_wait3A_559 : memref<128x64xf32, #tpu.memory_space<vmem>>) dst(%dma_wait3A_555 : memref<128x64xf32, #tpu.memory_space<hbm>>)
        %dma_start3A_560 = arith.constant 2 : i32
        %dma_start3A_561 = arith.constant 0 : i32
        %dma_start3A_562 = arith.constant 0 : i32
        %dma_start3A_563 = tpu.memref_slice %arg6[%dma_start3A_560, %dma_start3A_561, %dma_start3A_562] : memref<8x128x64xf32, #tpu.memory_space<vmem>> -> memref<1x128x64xf32, #tpu.memory_space<vmem>>
        %dma_start3A_564 = tpu.memref_squeeze %dma_start3A_563 : memref<1x128x64xf32, #tpu.memory_space<vmem>> -> memref<128x64xf32, #tpu.memory_space<vmem>>
        %dma_start3A_565 = arith.constant 0 : i32
        %dma_start3A_566 = tpu.memref_slice %arg5[%add3A_491, %dma_start3A_565] : memref<200x128xi32, #tpu.memory_space<vmem>> -> memref<1x128xi32, #tpu.memory_space<vmem>>
        %dma_start3A_567 = tpu.memref_squeeze %dma_start3A_566 : memref<1x128xi32, #tpu.memory_space<vmem>> -> memref<128xi32, #tpu.memory_space<vmem>>
        %dma_start3A_568 = arith.constant 0 : i32
        %dma_start3A_569 = arith.constant 0 : i32
        %dma_start3A_570 = tpu.memref_slice %arg2[%dma_start3A_568, %dma_start3A_569] : memref<1000000x64xf32, #tpu.memory_space<hbm>> -> memref<1000000x64xf32, #tpu.memory_space<hbm>>
        tpu.enqueue_indirect_dma source(%dma_start3A_570 : memref<1000000x64xf32, #tpu.memory_space<hbm>>) target(%dma_start3A_564 : memref<128x64xf32, #tpu.memory_space<vmem>>) offsets(%dma_start3A_567 : memref<128xi32, #tpu.memory_space<vmem>>) semaphore(%arg9 : memref<!tpu.dma_semaphore, #tpu.memory_space<semaphore_mem>>)
      } else {
      }
      %add3A_497 = arith.constant 8 : i32
      %add3A_498 = arith.addi %mul3A_224, %add3A_497 : i32
      %add3A_499 = arith.constant 3 : i32
      %add3A_500 = arith.addi %add3A_498, %add3A_499 : i32
      %lt3A_501 = arith.constant 200 : i32
      %lt3A_502 = arith.cmpi slt, %add3A_500, %lt3A_501 : i32
      %convert_element_type3A_503 = arith.extui %lt3A_502 : i1 to i32
      %cond3A_504 = arith.constant 0 : i32
      %cond3A_505 = arith.cmpi ne, %convert_element_type3A_503, %cond3A_504 : i32
      scf.if %cond3A_505 {
        %add3A_542 = arith.constant 3 : i32
        %add3A_543 = arith.addi %mul3A_224, %add3A_542 : i32
        %mul3A_544 = arith.constant 128 : i32
        %mul3A_545 = arith.muli %add3A_543, %mul3A_544 : i32
        %add3A_546 = arith.addi %mul3A_2, %mul3A_545 : i32
        %dma_wait3A_547 = arith.constant 3 : i32
        %dma_wait3A_548 = arith.constant 0 : i32
        %dma_wait3A_549 = arith.constant 0 : i32
        %dma_wait3A_550 = tpu.memref_slice %arg6[%dma_wait3A_547, %dma_wait3A_548, %dma_wait3A_549] : memref<8x128x64xf32, #tpu.memory_space<vmem>> -> memref<1x128x64xf32, #tpu.memory_space<vmem>>
        %dma_wait3A_551 = tpu.memref_squeeze %dma_wait3A_550 : memref<1x128x64xf32, #tpu.memory_space<vmem>> -> memref<128x64xf32, #tpu.memory_space<vmem>>
        %dma_wait3A_552 = arith.constant 0 : i32
        %dma_wait3A_553 = tpu.memref_slice %arg4[%add3A_546, %dma_wait3A_552] : memref<819200x64xf32, #tpu.memory_space<hbm>> -> memref<128x64xf32, #tpu.memory_space<hbm>>
        %dma_wait3A_554 = arith.constant 0 : i32
        %dma_wait3A_555 = tpu.memref_slice %arg4[%add3A_546, %dma_wait3A_554] : memref<819200x64xf32, #tpu.memory_space<hbm>> -> memref<128x64xf32, #tpu.memory_space<hbm>>
        %dma_wait3A_556 = arith.constant 0 : i32
        %dma_wait3A_557 = arith.constant 0 : i32
        %dma_wait3A_558 = tpu.memref_slice %arg6[%dma_wait3A_547, %dma_wait3A_556, %dma_wait3A_557] : memref<8x128x64xf32, #tpu.memory_space<vmem>> -> memref<1x128x64xf32, #tpu.memory_space<vmem>>
        %dma_wait3A_559 = tpu.memref_squeeze %dma_wait3A_558 : memref<1x128x64xf32, #tpu.memory_space<vmem>> -> memref<128x64xf32, #tpu.memory_space<vmem>>
        tpu.wait_dma2 semaphore(%arg18 : memref<!tpu.dma_semaphore, #tpu.memory_space<semaphore_mem>>) src(%dma_wait3A_559 : memref<128x64xf32, #tpu.memory_space<vmem>>) dst(%dma_wait3A_555 : memref<128x64xf32, #tpu.memory_space<hbm>>)
        %dma_start3A_560 = arith.constant 3 : i32
        %dma_start3A_561 = arith.constant 0 : i32
        %dma_start3A_562 = arith.constant 0 : i32
        %dma_start3A_563 = tpu.memref_slice %arg6[%dma_start3A_560, %dma_start3A_561, %dma_start3A_562] : memref<8x128x64xf32, #tpu.memory_space<vmem>> -> memref<1x128x64xf32, #tpu.memory_space<vmem>>
        %dma_start3A_564 = tpu.memref_squeeze %dma_start3A_563 : memref<1x128x64xf32, #tpu.memory_space<vmem>> -> memref<128x64xf32, #tpu.memory_space<vmem>>
        %dma_start3A_565 = arith.constant 0 : i32
        %dma_start3A_566 = tpu.memref_slice %arg5[%add3A_500, %dma_start3A_565] : memref<200x128xi32, #tpu.memory_space<vmem>> -> memref<1x128xi32, #tpu.memory_space<vmem>>
        %dma_start3A_567 = tpu.memref_squeeze %dma_start3A_566 : memref<1x128xi32, #tpu.memory_space<vmem>> -> memref<128xi32, #tpu.memory_space<vmem>>
        %dma_start3A_568 = arith.constant 0 : i32
        %dma_start3A_569 = arith.constant 0 : i32
        %dma_start3A_570 = tpu.memref_slice %arg2[%dma_start3A_568, %dma_start3A_569] : memref<1000000x64xf32, #tpu.memory_space<hbm>> -> memref<1000000x64xf32, #tpu.memory_space<hbm>>
        tpu.enqueue_indirect_dma source(%dma_start3A_570 : memref<1000000x64xf32, #tpu.memory_space<hbm>>) target(%dma_start3A_564 : memref<128x64xf32, #tpu.memory_space<vmem>>) offsets(%dma_start3A_567 : memref<128xi32, #tpu.memory_space<vmem>>) semaphore(%arg10 : memref<!tpu.dma_semaphore, #tpu.memory_space<semaphore_mem>>)
      } else {
      }
      %add3A_506 = arith.constant 8 : i32
      %add3A_507 = arith.addi %mul3A_224, %add3A_506 : i32
      %add3A_508 = arith.constant 4 : i32
      %add3A_509 = arith.addi %add3A_507, %add3A_508 : i32
      %lt3A_510 = arith.constant 200 : i32
      %lt3A_511 = arith.cmpi slt, %add3A_509, %lt3A_510 : i32
      %convert_element_type3A_512 = arith.extui %lt3A_511 : i1 to i32
      %cond3A_513 = arith.constant 0 : i32
      %cond3A_514 = arith.cmpi ne, %convert_element_type3A_512, %cond3A_513 : i32
      scf.if %cond3A_514 {
        %add3A_542 = arith.constant 4 : i32
        %add3A_543 = arith.addi %mul3A_224, %add3A_542 : i32
        %mul3A_544 = arith.constant 128 : i32
        %mul3A_545 = arith.muli %add3A_543, %mul3A_544 : i32
        %add3A_546 = arith.addi %mul3A_2, %mul3A_545 : i32
        %dma_wait3A_547 = arith.constant 4 : i32
        %dma_wait3A_548 = arith.constant 0 : i32
        %dma_wait3A_549 = arith.constant 0 : i32
        %dma_wait3A_550 = tpu.memref_slice %arg6[%dma_wait3A_547, %dma_wait3A_548, %dma_wait3A_549] : memref<8x128x64xf32, #tpu.memory_space<vmem>> -> memref<1x128x64xf32, #tpu.memory_space<vmem>>
        %dma_wait3A_551 = tpu.memref_squeeze %dma_wait3A_550 : memref<1x128x64xf32, #tpu.memory_space<vmem>> -> memref<128x64xf32, #tpu.memory_space<vmem>>
        %dma_wait3A_552 = arith.constant 0 : i32
        %dma_wait3A_553 = tpu.memref_slice %arg4[%add3A_546, %dma_wait3A_552] : memref<819200x64xf32, #tpu.memory_space<hbm>> -> memref<128x64xf32, #tpu.memory_space<hbm>>
        %dma_wait3A_554 = arith.constant 0 : i32
        %dma_wait3A_555 = tpu.memref_slice %arg4[%add3A_546, %dma_wait3A_554] : memref<819200x64xf32, #tpu.memory_space<hbm>> -> memref<128x64xf32, #tpu.memory_space<hbm>>
        %dma_wait3A_556 = arith.constant 0 : i32
        %dma_wait3A_557 = arith.constant 0 : i32
        %dma_wait3A_558 = tpu.memref_slice %arg6[%dma_wait3A_547, %dma_wait3A_556, %dma_wait3A_557] : memref<8x128x64xf32, #tpu.memory_space<vmem>> -> memref<1x128x64xf32, #tpu.memory_space<vmem>>
        %dma_wait3A_559 = tpu.memref_squeeze %dma_wait3A_558 : memref<1x128x64xf32, #tpu.memory_space<vmem>> -> memref<128x64xf32, #tpu.memory_space<vmem>>
        tpu.wait_dma2 semaphore(%arg19 : memref<!tpu.dma_semaphore, #tpu.memory_space<semaphore_mem>>) src(%dma_wait3A_559 : memref<128x64xf32, #tpu.memory_space<vmem>>) dst(%dma_wait3A_555 : memref<128x64xf32, #tpu.memory_space<hbm>>)
        %dma_start3A_560 = arith.constant 4 : i32
        %dma_start3A_561 = arith.constant 0 : i32
        %dma_start3A_562 = arith.constant 0 : i32
        %dma_start3A_563 = tpu.memref_slice %arg6[%dma_start3A_560, %dma_start3A_561, %dma_start3A_562] : memref<8x128x64xf32, #tpu.memory_space<vmem>> -> memref<1x128x64xf32, #tpu.memory_space<vmem>>
        %dma_start3A_564 = tpu.memref_squeeze %dma_start3A_563 : memref<1x128x64xf32, #tpu.memory_space<vmem>> -> memref<128x64xf32, #tpu.memory_space<vmem>>
        %dma_start3A_565 = arith.constant 0 : i32
        %dma_start3A_566 = tpu.memref_slice %arg5[%add3A_509, %dma_start3A_565] : memref<200x128xi32, #tpu.memory_space<vmem>> -> memref<1x128xi32, #tpu.memory_space<vmem>>
        %dma_start3A_567 = tpu.memref_squeeze %dma_start3A_566 : memref<1x128xi32, #tpu.memory_space<vmem>> -> memref<128xi32, #tpu.memory_space<vmem>>
        %dma_start3A_568 = arith.constant 0 : i32
        %dma_start3A_569 = arith.constant 0 : i32
        %dma_start3A_570 = tpu.memref_slice %arg2[%dma_start3A_568, %dma_start3A_569] : memref<1000000x64xf32, #tpu.memory_space<hbm>> -> memref<1000000x64xf32, #tpu.memory_space<hbm>>
        tpu.enqueue_indirect_dma source(%dma_start3A_570 : memref<1000000x64xf32, #tpu.memory_space<hbm>>) target(%dma_start3A_564 : memref<128x64xf32, #tpu.memory_space<vmem>>) offsets(%dma_start3A_567 : memref<128xi32, #tpu.memory_space<vmem>>) semaphore(%arg11 : memref<!tpu.dma_semaphore, #tpu.memory_space<semaphore_mem>>)
      } else {
      }
      %add3A_515 = arith.constant 8 : i32
      %add3A_516 = arith.addi %mul3A_224, %add3A_515 : i32
      %add3A_517 = arith.constant 5 : i32
      %add3A_518 = arith.addi %add3A_516, %add3A_517 : i32
      %lt3A_519 = arith.constant 200 : i32
      %lt3A_520 = arith.cmpi slt, %add3A_518, %lt3A_519 : i32
      %convert_element_type3A_521 = arith.extui %lt3A_520 : i1 to i32
      %cond3A_522 = arith.constant 0 : i32
      %cond3A_523 = arith.cmpi ne, %convert_element_type3A_521, %cond3A_522 : i32
      scf.if %cond3A_523 {
        %add3A_542 = arith.constant 5 : i32
        %add3A_543 = arith.addi %mul3A_224, %add3A_542 : i32
        %mul3A_544 = arith.constant 128 : i32
        %mul3A_545 = arith.muli %add3A_543, %mul3A_544 : i32
        %add3A_546 = arith.addi %mul3A_2, %mul3A_545 : i32
        %dma_wait3A_547 = arith.constant 5 : i32
        %dma_wait3A_548 = arith.constant 0 : i32
        %dma_wait3A_549 = arith.constant 0 : i32
        %dma_wait3A_550 = tpu.memref_slice %arg6[%dma_wait3A_547, %dma_wait3A_548, %dma_wait3A_549] : memref<8x128x64xf32, #tpu.memory_space<vmem>> -> memref<1x128x64xf32, #tpu.memory_space<vmem>>
        %dma_wait3A_551 = tpu.memref_squeeze %dma_wait3A_550 : memref<1x128x64xf32, #tpu.memory_space<vmem>> -> memref<128x64xf32, #tpu.memory_space<vmem>>
        %dma_wait3A_552 = arith.constant 0 : i32
        %dma_wait3A_553 = tpu.memref_slice %arg4[%add3A_546, %dma_wait3A_552] : memref<819200x64xf32, #tpu.memory_space<hbm>> -> memref<128x64xf32, #tpu.memory_space<hbm>>
        %dma_wait3A_554 = arith.constant 0 : i32
        %dma_wait3A_555 = tpu.memref_slice %arg4[%add3A_546, %dma_wait3A_554] : memref<819200x64xf32, #tpu.memory_space<hbm>> -> memref<128x64xf32, #tpu.memory_space<hbm>>
        %dma_wait3A_556 = arith.constant 0 : i32
        %dma_wait3A_557 = arith.constant 0 : i32
        %dma_wait3A_558 = tpu.memref_slice %arg6[%dma_wait3A_547, %dma_wait3A_556, %dma_wait3A_557] : memref<8x128x64xf32, #tpu.memory_space<vmem>> -> memref<1x128x64xf32, #tpu.memory_space<vmem>>
        %dma_wait3A_559 = tpu.memref_squeeze %dma_wait3A_558 : memref<1x128x64xf32, #tpu.memory_space<vmem>> -> memref<128x64xf32, #tpu.memory_space<vmem>>
        tpu.wait_dma2 semaphore(%arg20 : memref<!tpu.dma_semaphore, #tpu.memory_space<semaphore_mem>>) src(%dma_wait3A_559 : memref<128x64xf32, #tpu.memory_space<vmem>>) dst(%dma_wait3A_555 : memref<128x64xf32, #tpu.memory_space<hbm>>)
        %dma_start3A_560 = arith.constant 5 : i32
        %dma_start3A_561 = arith.constant 0 : i32
        %dma_start3A_562 = arith.constant 0 : i32
        %dma_start3A_563 = tpu.memref_slice %arg6[%dma_start3A_560, %dma_start3A_561, %dma_start3A_562] : memref<8x128x64xf32, #tpu.memory_space<vmem>> -> memref<1x128x64xf32, #tpu.memory_space<vmem>>
        %dma_start3A_564 = tpu.memref_squeeze %dma_start3A_563 : memref<1x128x64xf32, #tpu.memory_space<vmem>> -> memref<128x64xf32, #tpu.memory_space<vmem>>
        %dma_start3A_565 = arith.constant 0 : i32
        %dma_start3A_566 = tpu.memref_slice %arg5[%add3A_518, %dma_start3A_565] : memref<200x128xi32, #tpu.memory_space<vmem>> -> memref<1x128xi32, #tpu.memory_space<vmem>>
        %dma_start3A_567 = tpu.memref_squeeze %dma_start3A_566 : memref<1x128xi32, #tpu.memory_space<vmem>> -> memref<128xi32, #tpu.memory_space<vmem>>
        %dma_start3A_568 = arith.constant 0 : i32
        %dma_start3A_569 = arith.constant 0 : i32
        %dma_start3A_570 = tpu.memref_slice %arg2[%dma_start3A_568, %dma_start3A_569] : memref<1000000x64xf32, #tpu.memory_space<hbm>> -> memref<1000000x64xf32, #tpu.memory_space<hbm>>
        tpu.enqueue_indirect_dma source(%dma_start3A_570 : memref<1000000x64xf32, #tpu.memory_space<hbm>>) target(%dma_start3A_564 : memref<128x64xf32, #tpu.memory_space<vmem>>) offsets(%dma_start3A_567 : memref<128xi32, #tpu.memory_space<vmem>>) semaphore(%arg12 : memref<!tpu.dma_semaphore, #tpu.memory_space<semaphore_mem>>)
      } else {
      }
      %add3A_524 = arith.constant 8 : i32
      %add3A_525 = arith.addi %mul3A_224, %add3A_524 : i32
      %add3A_526 = arith.constant 6 : i32
      %add3A_527 = arith.addi %add3A_525, %add3A_526 : i32
      %lt3A_528 = arith.constant 200 : i32
      %lt3A_529 = arith.cmpi slt, %add3A_527, %lt3A_528 : i32
      %convert_element_type3A_530 = arith.extui %lt3A_529 : i1 to i32
      %cond3A_531 = arith.constant 0 : i32
      %cond3A_532 = arith.cmpi ne, %convert_element_type3A_530, %cond3A_531 : i32
      scf.if %cond3A_532 {
        %add3A_542 = arith.constant 6 : i32
        %add3A_543 = arith.addi %mul3A_224, %add3A_542 : i32
        %mul3A_544 = arith.constant 128 : i32
        %mul3A_545 = arith.muli %add3A_543, %mul3A_544 : i32
        %add3A_546 = arith.addi %mul3A_2, %mul3A_545 : i32
        %dma_wait3A_547 = arith.constant 6 : i32
        %dma_wait3A_548 = arith.constant 0 : i32
        %dma_wait3A_549 = arith.constant 0 : i32
        %dma_wait3A_550 = tpu.memref_slice %arg6[%dma_wait3A_547, %dma_wait3A_548, %dma_wait3A_549] : memref<8x128x64xf32, #tpu.memory_space<vmem>> -> memref<1x128x64xf32, #tpu.memory_space<vmem>>
        %dma_wait3A_551 = tpu.memref_squeeze %dma_wait3A_550 : memref<1x128x64xf32, #tpu.memory_space<vmem>> -> memref<128x64xf32, #tpu.memory_space<vmem>>
        %dma_wait3A_552 = arith.constant 0 : i32
        %dma_wait3A_553 = tpu.memref_slice %arg4[%add3A_546, %dma_wait3A_552] : memref<819200x64xf32, #tpu.memory_space<hbm>> -> memref<128x64xf32, #tpu.memory_space<hbm>>
        %dma_wait3A_554 = arith.constant 0 : i32
        %dma_wait3A_555 = tpu.memref_slice %arg4[%add3A_546, %dma_wait3A_554] : memref<819200x64xf32, #tpu.memory_space<hbm>> -> memref<128x64xf32, #tpu.memory_space<hbm>>
        %dma_wait3A_556 = arith.constant 0 : i32
        %dma_wait3A_557 = arith.constant 0 : i32
        %dma_wait3A_558 = tpu.memref_slice %arg6[%dma_wait3A_547, %dma_wait3A_556, %dma_wait3A_557] : memref<8x128x64xf32, #tpu.memory_space<vmem>> -> memref<1x128x64xf32, #tpu.memory_space<vmem>>
        %dma_wait3A_559 = tpu.memref_squeeze %dma_wait3A_558 : memref<1x128x64xf32, #tpu.memory_space<vmem>> -> memref<128x64xf32, #tpu.memory_space<vmem>>
        tpu.wait_dma2 semaphore(%arg21 : memref<!tpu.dma_semaphore, #tpu.memory_space<semaphore_mem>>) src(%dma_wait3A_559 : memref<128x64xf32, #tpu.memory_space<vmem>>) dst(%dma_wait3A_555 : memref<128x64xf32, #tpu.memory_space<hbm>>)
        %dma_start3A_560 = arith.constant 6 : i32
        %dma_start3A_561 = arith.constant 0 : i32
        %dma_start3A_562 = arith.constant 0 : i32
        %dma_start3A_563 = tpu.memref_slice %arg6[%dma_start3A_560, %dma_start3A_561, %dma_start3A_562] : memref<8x128x64xf32, #tpu.memory_space<vmem>> -> memref<1x128x64xf32, #tpu.memory_space<vmem>>
        %dma_start3A_564 = tpu.memref_squeeze %dma_start3A_563 : memref<1x128x64xf32, #tpu.memory_space<vmem>> -> memref<128x64xf32, #tpu.memory_space<vmem>>
        %dma_start3A_565 = arith.constant 0 : i32
        %dma_start3A_566 = tpu.memref_slice %arg5[%add3A_527, %dma_start3A_565] : memref<200x128xi32, #tpu.memory_space<vmem>> -> memref<1x128xi32, #tpu.memory_space<vmem>>
        %dma_start3A_567 = tpu.memref_squeeze %dma_start3A_566 : memref<1x128xi32, #tpu.memory_space<vmem>> -> memref<128xi32, #tpu.memory_space<vmem>>
        %dma_start3A_568 = arith.constant 0 : i32
        %dma_start3A_569 = arith.constant 0 : i32
        %dma_start3A_570 = tpu.memref_slice %arg2[%dma_start3A_568, %dma_start3A_569] : memref<1000000x64xf32, #tpu.memory_space<hbm>> -> memref<1000000x64xf32, #tpu.memory_space<hbm>>
        tpu.enqueue_indirect_dma source(%dma_start3A_570 : memref<1000000x64xf32, #tpu.memory_space<hbm>>) target(%dma_start3A_564 : memref<128x64xf32, #tpu.memory_space<vmem>>) offsets(%dma_start3A_567 : memref<128xi32, #tpu.memory_space<vmem>>) semaphore(%arg13 : memref<!tpu.dma_semaphore, #tpu.memory_space<semaphore_mem>>)
      } else {
      }
      %add3A_533 = arith.constant 8 : i32
      %add3A_534 = arith.addi %mul3A_224, %add3A_533 : i32
      %add3A_535 = arith.constant 7 : i32
      %add3A_536 = arith.addi %add3A_534, %add3A_535 : i32
      %lt3A_537 = arith.constant 200 : i32
      %lt3A_538 = arith.cmpi slt, %add3A_536, %lt3A_537 : i32
      %convert_element_type3A_539 = arith.extui %lt3A_538 : i1 to i32
      %cond3A_540 = arith.constant 0 : i32
      %cond3A_541 = arith.cmpi ne, %convert_element_type3A_539, %cond3A_540 : i32
      scf.if %cond3A_541 {
        %add3A_542 = arith.constant 7 : i32
        %add3A_543 = arith.addi %mul3A_224, %add3A_542 : i32
        %mul3A_544 = arith.constant 128 : i32
        %mul3A_545 = arith.muli %add3A_543, %mul3A_544 : i32
        %add3A_546 = arith.addi %mul3A_2, %mul3A_545 : i32
        %dma_wait3A_547 = arith.constant 7 : i32
        %dma_wait3A_548 = arith.constant 0 : i32
        %dma_wait3A_549 = arith.constant 0 : i32
        %dma_wait3A_550 = tpu.memref_slice %arg6[%dma_wait3A_547, %dma_wait3A_548, %dma_wait3A_549] : memref<8x128x64xf32, #tpu.memory_space<vmem>> -> memref<1x128x64xf32, #tpu.memory_space<vmem>>
        %dma_wait3A_551 = tpu.memref_squeeze %dma_wait3A_550 : memref<1x128x64xf32, #tpu.memory_space<vmem>> -> memref<128x64xf32, #tpu.memory_space<vmem>>
        %dma_wait3A_552 = arith.constant 0 : i32
        %dma_wait3A_553 = tpu.memref_slice %arg4[%add3A_546, %dma_wait3A_552] : memref<819200x64xf32, #tpu.memory_space<hbm>> -> memref<128x64xf32, #tpu.memory_space<hbm>>
        %dma_wait3A_554 = arith.constant 0 : i32
        %dma_wait3A_555 = tpu.memref_slice %arg4[%add3A_546, %dma_wait3A_554] : memref<819200x64xf32, #tpu.memory_space<hbm>> -> memref<128x64xf32, #tpu.memory_space<hbm>>
        %dma_wait3A_556 = arith.constant 0 : i32
        %dma_wait3A_557 = arith.constant 0 : i32
        %dma_wait3A_558 = tpu.memref_slice %arg6[%dma_wait3A_547, %dma_wait3A_556, %dma_wait3A_557] : memref<8x128x64xf32, #tpu.memory_space<vmem>> -> memref<1x128x64xf32, #tpu.memory_space<vmem>>
        %dma_wait3A_559 = tpu.memref_squeeze %dma_wait3A_558 : memref<1x128x64xf32, #tpu.memory_space<vmem>> -> memref<128x64xf32, #tpu.memory_space<vmem>>
        tpu.wait_dma2 semaphore(%arg22 : memref<!tpu.dma_semaphore, #tpu.memory_space<semaphore_mem>>) src(%dma_wait3A_559 : memref<128x64xf32, #tpu.memory_space<vmem>>) dst(%dma_wait3A_555 : memref<128x64xf32, #tpu.memory_space<hbm>>)
        %dma_start3A_560 = arith.constant 7 : i32
        %dma_start3A_561 = arith.constant 0 : i32
        %dma_start3A_562 = arith.constant 0 : i32
        %dma_start3A_563 = tpu.memref_slice %arg6[%dma_start3A_560, %dma_start3A_561, %dma_start3A_562] : memref<8x128x64xf32, #tpu.memory_space<vmem>> -> memref<1x128x64xf32, #tpu.memory_space<vmem>>
        %dma_start3A_564 = tpu.memref_squeeze %dma_start3A_563 : memref<1x128x64xf32, #tpu.memory_space<vmem>> -> memref<128x64xf32, #tpu.memory_space<vmem>>
        %dma_start3A_565 = arith.constant 0 : i32
        %dma_start3A_566 = tpu.memref_slice %arg5[%add3A_536, %dma_start3A_565] : memref<200x128xi32, #tpu.memory_space<vmem>> -> memref<1x128xi32, #tpu.memory_space<vmem>>
        %dma_start3A_567 = tpu.memref_squeeze %dma_start3A_566 : memref<1x128xi32, #tpu.memory_space<vmem>> -> memref<128xi32, #tpu.memory_space<vmem>>
        %dma_start3A_568 = arith.constant 0 : i32
        %dma_start3A_569 = arith.constant 0 : i32
        %dma_start3A_570 = tpu.memref_slice %arg2[%dma_start3A_568, %dma_start3A_569] : memref<1000000x64xf32, #tpu.memory_space<hbm>> -> memref<1000000x64xf32, #tpu.memory_space<hbm>>
        tpu.enqueue_indirect_dma source(%dma_start3A_570 : memref<1000000x64xf32, #tpu.memory_space<hbm>>) target(%dma_start3A_564 : memref<128x64xf32, #tpu.memory_space<vmem>>) offsets(%dma_start3A_567 : memref<128xi32, #tpu.memory_space<vmem>>) semaphore(%arg14 : memref<!tpu.dma_semaphore, #tpu.memory_space<semaphore_mem>>)
      } else {
      }
    }
    %scan3A_102 = arith.constant 25 : i32
    %add3A_103 = arith.constant 24576 : i32
    %add3A_104 = arith.addi %mul3A_2, %add3A_103 : i32
    %dma_wait3A = arith.constant 0 : i32
    %dma_wait3A_105 = arith.constant 0 : i32
    %dma_wait3A_106 = arith.constant 0 : i32
    %dma_wait3A_107 = tpu.memref_slice %arg6[%dma_wait3A, %dma_wait3A_105, %dma_wait3A_106] : memref<8x128x64xf32, #tpu.memory_space<vmem>> -> memref<1x128x64xf32, #tpu.memory_space<vmem>>
    %dma_wait3A_108 = tpu.memref_squeeze %dma_wait3A_107 : memref<1x128x64xf32, #tpu.memory_space<vmem>> -> memref<128x64xf32, #tpu.memory_space<vmem>>
    %dma_wait3A_109 = arith.constant 0 : i32
    %dma_wait3A_110 = tpu.memref_slice %arg4[%add3A_104, %dma_wait3A_109] : memref<819200x64xf32, #tpu.memory_space<hbm>> -> memref<128x64xf32, #tpu.memory_space<hbm>>
    %dma_wait3A_111 = arith.constant 0 : i32
    %dma_wait3A_112 = tpu.memref_slice %arg4[%add3A_104, %dma_wait3A_111] : memref<819200x64xf32, #tpu.memory_space<hbm>> -> memref<128x64xf32, #tpu.memory_space<hbm>>
    %dma_wait3A_113 = arith.constant 0 : i32
    %dma_wait3A_114 = arith.constant 0 : i32
    %dma_wait3A_115 = tpu.memref_slice %arg6[%dma_wait3A, %dma_wait3A_113, %dma_wait3A_114] : memref<8x128x64xf32, #tpu.memory_space<vmem>> -> memref<1x128x64xf32, #tpu.memory_space<vmem>>
    %dma_wait3A_116 = tpu.memref_squeeze %dma_wait3A_115 : memref<1x128x64xf32, #tpu.memory_space<vmem>> -> memref<128x64xf32, #tpu.memory_space<vmem>>
    tpu.wait_dma2 semaphore(%arg15 : memref<!tpu.dma_semaphore, #tpu.memory_space<semaphore_mem>>) src(%dma_wait3A_116 : memref<128x64xf32, #tpu.memory_space<vmem>>) dst(%dma_wait3A_112 : memref<128x64xf32, #tpu.memory_space<hbm>>)
    %add3A_117 = arith.constant 24704 : i32
    %add3A_118 = arith.addi %mul3A_2, %add3A_117 : i32
    %dma_wait3A_119 = arith.constant 1 : i32
    %dma_wait3A_120 = arith.constant 0 : i32
    %dma_wait3A_121 = arith.constant 0 : i32
    %dma_wait3A_122 = tpu.memref_slice %arg6[%dma_wait3A_119, %dma_wait3A_120, %dma_wait3A_121] : memref<8x128x64xf32, #tpu.memory_space<vmem>> -> memref<1x128x64xf32, #tpu.memory_space<vmem>>
    %dma_wait3A_123 = tpu.memref_squeeze %dma_wait3A_122 : memref<1x128x64xf32, #tpu.memory_space<vmem>> -> memref<128x64xf32, #tpu.memory_space<vmem>>
    %dma_wait3A_124 = arith.constant 0 : i32
    %dma_wait3A_125 = tpu.memref_slice %arg4[%add3A_118, %dma_wait3A_124] : memref<819200x64xf32, #tpu.memory_space<hbm>> -> memref<128x64xf32, #tpu.memory_space<hbm>>
    %dma_wait3A_126 = arith.constant 0 : i32
    %dma_wait3A_127 = tpu.memref_slice %arg4[%add3A_118, %dma_wait3A_126] : memref<819200x64xf32, #tpu.memory_space<hbm>> -> memref<128x64xf32, #tpu.memory_space<hbm>>
    %dma_wait3A_128 = arith.constant 0 : i32
    %dma_wait3A_129 = arith.constant 0 : i32
    %dma_wait3A_130 = tpu.memref_slice %arg6[%dma_wait3A_119, %dma_wait3A_128, %dma_wait3A_129] : memref<8x128x64xf32, #tpu.memory_space<vmem>> -> memref<1x128x64xf32, #tpu.memory_space<vmem>>
    %dma_wait3A_131 = tpu.memref_squeeze %dma_wait3A_130 : memref<1x128x64xf32, #tpu.memory_space<vmem>> -> memref<128x64xf32, #tpu.memory_space<vmem>>
    tpu.wait_dma2 semaphore(%arg16 : memref<!tpu.dma_semaphore, #tpu.memory_space<semaphore_mem>>) src(%dma_wait3A_131 : memref<128x64xf32, #tpu.memory_space<vmem>>) dst(%dma_wait3A_127 : memref<128x64xf32, #tpu.memory_space<hbm>>)
    %add3A_132 = arith.constant 24832 : i32
    %add3A_133 = arith.addi %mul3A_2, %add3A_132 : i32
    %dma_wait3A_134 = arith.constant 2 : i32
    %dma_wait3A_135 = arith.constant 0 : i32
    %dma_wait3A_136 = arith.constant 0 : i32
    %dma_wait3A_137 = tpu.memref_slice %arg6[%dma_wait3A_134, %dma_wait3A_135, %dma_wait3A_136] : memref<8x128x64xf32, #tpu.memory_space<vmem>> -> memref<1x128x64xf32, #tpu.memory_space<vmem>>
    %dma_wait3A_138 = tpu.memref_squeeze %dma_wait3A_137 : memref<1x128x64xf32, #tpu.memory_space<vmem>> -> memref<128x64xf32, #tpu.memory_space<vmem>>
    %dma_wait3A_139 = arith.constant 0 : i32
    %dma_wait3A_140 = tpu.memref_slice %arg4[%add3A_133, %dma_wait3A_139] : memref<819200x64xf32, #tpu.memory_space<hbm>> -> memref<128x64xf32, #tpu.memory_space<hbm>>
    %dma_wait3A_141 = arith.constant 0 : i32
    %dma_wait3A_142 = tpu.memref_slice %arg4[%add3A_133, %dma_wait3A_141] : memref<819200x64xf32, #tpu.memory_space<hbm>> -> memref<128x64xf32, #tpu.memory_space<hbm>>
    %dma_wait3A_143 = arith.constant 0 : i32
    %dma_wait3A_144 = arith.constant 0 : i32
    %dma_wait3A_145 = tpu.memref_slice %arg6[%dma_wait3A_134, %dma_wait3A_143, %dma_wait3A_144] : memref<8x128x64xf32, #tpu.memory_space<vmem>> -> memref<1x128x64xf32, #tpu.memory_space<vmem>>
    %dma_wait3A_146 = tpu.memref_squeeze %dma_wait3A_145 : memref<1x128x64xf32, #tpu.memory_space<vmem>> -> memref<128x64xf32, #tpu.memory_space<vmem>>
    tpu.wait_dma2 semaphore(%arg17 : memref<!tpu.dma_semaphore, #tpu.memory_space<semaphore_mem>>) src(%dma_wait3A_146 : memref<128x64xf32, #tpu.memory_space<vmem>>) dst(%dma_wait3A_142 : memref<128x64xf32, #tpu.memory_space<hbm>>)
    %add3A_147 = arith.constant 24960 : i32
    %add3A_148 = arith.addi %mul3A_2, %add3A_147 : i32
    %dma_wait3A_149 = arith.constant 3 : i32
    %dma_wait3A_150 = arith.constant 0 : i32
    %dma_wait3A_151 = arith.constant 0 : i32
    %dma_wait3A_152 = tpu.memref_slice %arg6[%dma_wait3A_149, %dma_wait3A_150, %dma_wait3A_151] : memref<8x128x64xf32, #tpu.memory_space<vmem>> -> memref<1x128x64xf32, #tpu.memory_space<vmem>>
    %dma_wait3A_153 = tpu.memref_squeeze %dma_wait3A_152 : memref<1x128x64xf32, #tpu.memory_space<vmem>> -> memref<128x64xf32, #tpu.memory_space<vmem>>
    %dma_wait3A_154 = arith.constant 0 : i32
    %dma_wait3A_155 = tpu.memref_slice %arg4[%add3A_148, %dma_wait3A_154] : memref<819200x64xf32, #tpu.memory_space<hbm>> -> memref<128x64xf32, #tpu.memory_space<hbm>>
    %dma_wait3A_156 = arith.constant 0 : i32
    %dma_wait3A_157 = tpu.memref_slice %arg4[%add3A_148, %dma_wait3A_156] : memref<819200x64xf32, #tpu.memory_space<hbm>> -> memref<128x64xf32, #tpu.memory_space<hbm>>
    %dma_wait3A_158 = arith.constant 0 : i32
    %dma_wait3A_159 = arith.constant 0 : i32
    %dma_wait3A_160 = tpu.memref_slice %arg6[%dma_wait3A_149, %dma_wait3A_158, %dma_wait3A_159] : memref<8x128x64xf32, #tpu.memory_space<vmem>> -> memref<1x128x64xf32, #tpu.memory_space<vmem>>
    %dma_wait3A_161 = tpu.memref_squeeze %dma_wait3A_160 : memref<1x128x64xf32, #tpu.memory_space<vmem>> -> memref<128x64xf32, #tpu.memory_space<vmem>>
    tpu.wait_dma2 semaphore(%arg18 : memref<!tpu.dma_semaphore, #tpu.memory_space<semaphore_mem>>) src(%dma_wait3A_161 : memref<128x64xf32, #tpu.memory_space<vmem>>) dst(%dma_wait3A_157 : memref<128x64xf32, #tpu.memory_space<hbm>>)
    %add3A_162 = arith.constant 25088 : i32
    %add3A_163 = arith.addi %mul3A_2, %add3A_162 : i32
    %dma_wait3A_164 = arith.constant 4 : i32
    %dma_wait3A_165 = arith.constant 0 : i32
    %dma_wait3A_166 = arith.constant 0 : i32
    %dma_wait3A_167 = tpu.memref_slice %arg6[%dma_wait3A_164, %dma_wait3A_165, %dma_wait3A_166] : memref<8x128x64xf32, #tpu.memory_space<vmem>> -> memref<1x128x64xf32, #tpu.memory_space<vmem>>
    %dma_wait3A_168 = tpu.memref_squeeze %dma_wait3A_167 : memref<1x128x64xf32, #tpu.memory_space<vmem>> -> memref<128x64xf32, #tpu.memory_space<vmem>>
    %dma_wait3A_169 = arith.constant 0 : i32
    %dma_wait3A_170 = tpu.memref_slice %arg4[%add3A_163, %dma_wait3A_169] : memref<819200x64xf32, #tpu.memory_space<hbm>> -> memref<128x64xf32, #tpu.memory_space<hbm>>
    %dma_wait3A_171 = arith.constant 0 : i32
    %dma_wait3A_172 = tpu.memref_slice %arg4[%add3A_163, %dma_wait3A_171] : memref<819200x64xf32, #tpu.memory_space<hbm>> -> memref<128x64xf32, #tpu.memory_space<hbm>>
    %dma_wait3A_173 = arith.constant 0 : i32
    %dma_wait3A_174 = arith.constant 0 : i32
    %dma_wait3A_175 = tpu.memref_slice %arg6[%dma_wait3A_164, %dma_wait3A_173, %dma_wait3A_174] : memref<8x128x64xf32, #tpu.memory_space<vmem>> -> memref<1x128x64xf32, #tpu.memory_space<vmem>>
    %dma_wait3A_176 = tpu.memref_squeeze %dma_wait3A_175 : memref<1x128x64xf32, #tpu.memory_space<vmem>> -> memref<128x64xf32, #tpu.memory_space<vmem>>
    tpu.wait_dma2 semaphore(%arg19 : memref<!tpu.dma_semaphore, #tpu.memory_space<semaphore_mem>>) src(%dma_wait3A_176 : memref<128x64xf32, #tpu.memory_space<vmem>>) dst(%dma_wait3A_172 : memref<128x64xf32, #tpu.memory_space<hbm>>)
    %add3A_177 = arith.constant 25216 : i32
    %add3A_178 = arith.addi %mul3A_2, %add3A_177 : i32
    %dma_wait3A_179 = arith.constant 5 : i32
    %dma_wait3A_180 = arith.constant 0 : i32
    %dma_wait3A_181 = arith.constant 0 : i32
    %dma_wait3A_182 = tpu.memref_slice %arg6[%dma_wait3A_179, %dma_wait3A_180, %dma_wait3A_181] : memref<8x128x64xf32, #tpu.memory_space<vmem>> -> memref<1x128x64xf32, #tpu.memory_space<vmem>>
    %dma_wait3A_183 = tpu.memref_squeeze %dma_wait3A_182 : memref<1x128x64xf32, #tpu.memory_space<vmem>> -> memref<128x64xf32, #tpu.memory_space<vmem>>
    %dma_wait3A_184 = arith.constant 0 : i32
    %dma_wait3A_185 = tpu.memref_slice %arg4[%add3A_178, %dma_wait3A_184] : memref<819200x64xf32, #tpu.memory_space<hbm>> -> memref<128x64xf32, #tpu.memory_space<hbm>>
    %dma_wait3A_186 = arith.constant 0 : i32
    %dma_wait3A_187 = tpu.memref_slice %arg4[%add3A_178, %dma_wait3A_186] : memref<819200x64xf32, #tpu.memory_space<hbm>> -> memref<128x64xf32, #tpu.memory_space<hbm>>
    %dma_wait3A_188 = arith.constant 0 : i32
    %dma_wait3A_189 = arith.constant 0 : i32
    %dma_wait3A_190 = tpu.memref_slice %arg6[%dma_wait3A_179, %dma_wait3A_188, %dma_wait3A_189] : memref<8x128x64xf32, #tpu.memory_space<vmem>> -> memref<1x128x64xf32, #tpu.memory_space<vmem>>
    %dma_wait3A_191 = tpu.memref_squeeze %dma_wait3A_190 : memref<1x128x64xf32, #tpu.memory_space<vmem>> -> memref<128x64xf32, #tpu.memory_space<vmem>>
    tpu.wait_dma2 semaphore(%arg20 : memref<!tpu.dma_semaphore, #tpu.memory_space<semaphore_mem>>) src(%dma_wait3A_191 : memref<128x64xf32, #tpu.memory_space<vmem>>) dst(%dma_wait3A_187 : memref<128x64xf32, #tpu.memory_space<hbm>>)
    %add3A_192 = arith.constant 25344 : i32
    %add3A_193 = arith.addi %mul3A_2, %add3A_192 : i32
    %dma_wait3A_194 = arith.constant 6 : i32
    %dma_wait3A_195 = arith.constant 0 : i32
    %dma_wait3A_196 = arith.constant 0 : i32
    %dma_wait3A_197 = tpu.memref_slice %arg6[%dma_wait3A_194, %dma_wait3A_195, %dma_wait3A_196] : memref<8x128x64xf32, #tpu.memory_space<vmem>> -> memref<1x128x64xf32, #tpu.memory_space<vmem>>
    %dma_wait3A_198 = tpu.memref_squeeze %dma_wait3A_197 : memref<1x128x64xf32, #tpu.memory_space<vmem>> -> memref<128x64xf32, #tpu.memory_space<vmem>>
    %dma_wait3A_199 = arith.constant 0 : i32
    %dma_wait3A_200 = tpu.memref_slice %arg4[%add3A_193, %dma_wait3A_199] : memref<819200x64xf32, #tpu.memory_space<hbm>> -> memref<128x64xf32, #tpu.memory_space<hbm>>
    %dma_wait3A_201 = arith.constant 0 : i32
    %dma_wait3A_202 = tpu.memref_slice %arg4[%add3A_193, %dma_wait3A_201] : memref<819200x64xf32, #tpu.memory_space<hbm>> -> memref<128x64xf32, #tpu.memory_space<hbm>>
    %dma_wait3A_203 = arith.constant 0 : i32
    %dma_wait3A_204 = arith.constant 0 : i32
    %dma_wait3A_205 = tpu.memref_slice %arg6[%dma_wait3A_194, %dma_wait3A_203, %dma_wait3A_204] : memref<8x128x64xf32, #tpu.memory_space<vmem>> -> memref<1x128x64xf32, #tpu.memory_space<vmem>>
    %dma_wait3A_206 = tpu.memref_squeeze %dma_wait3A_205 : memref<1x128x64xf32, #tpu.memory_space<vmem>> -> memref<128x64xf32, #tpu.memory_space<vmem>>
    tpu.wait_dma2 semaphore(%arg21 : memref<!tpu.dma_semaphore, #tpu.memory_space<semaphore_mem>>) src(%dma_wait3A_206 : memref<128x64xf32, #tpu.memory_space<vmem>>) dst(%dma_wait3A_202 : memref<128x64xf32, #tpu.memory_space<hbm>>)
    %add3A_207 = arith.constant 25472 : i32
    %add3A_208 = arith.addi %mul3A_2, %add3A_207 : i32
    %dma_wait3A_209 = arith.constant 7 : i32
    %dma_wait3A_210 = arith.constant 0 : i32
    %dma_wait3A_211 = arith.constant 0 : i32
    %dma_wait3A_212 = tpu.memref_slice %arg6[%dma_wait3A_209, %dma_wait3A_210, %dma_wait3A_211] : memref<8x128x64xf32, #tpu.memory_space<vmem>> -> memref<1x128x64xf32, #tpu.memory_space<vmem>>
    %dma_wait3A_213 = tpu.memref_squeeze %dma_wait3A_212 : memref<1x128x64xf32, #tpu.memory_space<vmem>> -> memref<128x64xf32, #tpu.memory_space<vmem>>
    %dma_wait3A_214 = arith.constant 0 : i32
    %dma_wait3A_215 = tpu.memref_slice %arg4[%add3A_208, %dma_wait3A_214] : memref<819200x64xf32, #tpu.memory_space<hbm>> -> memref<128x64xf32, #tpu.memory_space<hbm>>
    %dma_wait3A_216 = arith.constant 0 : i32
    %dma_wait3A_217 = tpu.memref_slice %arg4[%add3A_208, %dma_wait3A_216] : memref<819200x64xf32, #tpu.memory_space<hbm>> -> memref<128x64xf32, #tpu.memory_space<hbm>>
    %dma_wait3A_218 = arith.constant 0 : i32
    %dma_wait3A_219 = arith.constant 0 : i32
    %dma_wait3A_220 = tpu.memref_slice %arg6[%dma_wait3A_209, %dma_wait3A_218, %dma_wait3A_219] : memref<8x128x64xf32, #tpu.memory_space<vmem>> -> memref<1x128x64xf32, #tpu.memory_space<vmem>>
    %dma_wait3A_221 = tpu.memref_squeeze %dma_wait3A_220 : memref<1x128x64xf32, #tpu.memory_space<vmem>> -> memref<128x64xf32, #tpu.memory_space<vmem>>
    tpu.wait_dma2 semaphore(%arg22 : memref<!tpu.dma_semaphore, #tpu.memory_space<semaphore_mem>>) src(%dma_wait3A_221 : memref<128x64xf32, #tpu.memory_space<vmem>>) dst(%dma_wait3A_217 : memref<128x64xf32, #tpu.memory_space<hbm>>)
    return
  }
}

module attributes {stable_mosaic.version = 14 : i64} {
  func.func @body(%arg0: i32, %arg1: memref<4096x128xf32, #tpu.memory_space<vmem>>, %arg2: memref<128x120xf32, #tpu.memory_space<vmem>>, %arg3: memref<1x120xf32, #tpu.memory_space<vmem>>, %arg4: memref<120x120xf32, #tpu.memory_space<vmem>>, %arg5: memref<1x120xf32, #tpu.memory_space<vmem>>, %arg6: memref<2x120xf32, #tpu.memory_space<vmem>>, %arg7: memref<2x1xf32, #tpu.memory_space<vmem>>, %arg8: memref<2x4096xf32, #tpu.memory_space<vmem>>) attributes {dimension_semantics = [#tpu.dimension_semantics<arbitrary>], iteration_bounds = array<i64: 100>, scalar_prefetch = 0 : i64, scratch_operands = 0 : i64, tpu.core_type = #tpu.core_type<tc>, window_params = [{transform_indices = @transform_0, window_bounds = array<i64: 4096, 128>}, {pipeline_mode = #tpu.pipeline_mode<synchronous>, transform_indices = @transform_1, window_bounds = array<i64: 128, 120>}, {pipeline_mode = #tpu.pipeline_mode<synchronous>, transform_indices = @transform_2, window_bounds = array<i64: 1, 120>}, {pipeline_mode = #tpu.pipeline_mode<synchronous>, transform_indices = @transform_3, window_bounds = array<i64: 120, 120>}, {pipeline_mode = #tpu.pipeline_mode<synchronous>, transform_indices = @transform_4, window_bounds = array<i64: 1, 120>}, {pipeline_mode = #tpu.pipeline_mode<synchronous>, transform_indices = @transform_5, window_bounds = array<i64: 2, 120>}, {pipeline_mode = #tpu.pipeline_mode<synchronous>, transform_indices = @transform_6, window_bounds = array<i64: 2, 1>}, {transform_indices = @transform_7, window_bounds = array<i64: 2, 4096>}]} {
    %get3A = arith.constant 0 : index
    %get3A_0 = arith.constant 0 : index
    %get3A_1 = vector.load %arg1[%get3A, %get3A_0] : memref<4096x128xf32, #tpu.memory_space<vmem>>, vector<4096x128xf32>
    %get3A_2 = arith.constant 0 : index
    %get3A_3 = arith.constant 0 : index
    %get3A_4 = vector.load %arg2[%get3A_2, %get3A_3] : memref<128x120xf32, #tpu.memory_space<vmem>>, vector<128x120xf32>
    %dot_general3A = arith.constant dense<0.000000e+00> : vector<4096x120xf32>
    %dot_general3A_5 = tpu.matmul %get3A_1, %get3A_4, %dot_general3A {dimension_numbers = #tpu.dot_dimension_numbers<[1], [0], [0], [1], [0, 0, 1, 1], [], []>, transpose_lhs_hint = false} : vector<4096x128xf32>, vector<128x120xf32>, vector<4096x120xf32> -> vector<4096x120xf32>
    %get3A_6 = arith.constant 0 : index
    %get3A_7 = arith.constant 0 : index
    %get3A_8 = vector.load %arg3[%get3A_6, %get3A_7] : memref<1x120xf32, #tpu.memory_space<vmem>>, vector<1x120xf32>
    %add3A = vector.broadcast %get3A_8 : vector<1x120xf32> to vector<4096x120xf32>
    %add3A_9 = arith.addf %dot_general3A_5, %add3A : vector<4096x120xf32>
    %max3A = arith.constant 0.000000e+00 : f32
    %max3A_10 = vector.broadcast %max3A : f32 to vector<4096x120xf32>
    %max3A_11 = arith.maximumf %add3A_9, %max3A_10 : vector<4096x120xf32>
    %get3A_12 = arith.constant 0 : index
    %get3A_13 = arith.constant 0 : index
    %get3A_14 = vector.load %arg4[%get3A_12, %get3A_13] : memref<120x120xf32, #tpu.memory_space<vmem>>, vector<120x120xf32>
    %dot_general3A_15 = arith.constant dense<0.000000e+00> : vector<4096x120xf32>
    %dot_general3A_16 = tpu.matmul %max3A_11, %get3A_14, %dot_general3A_15 {dimension_numbers = #tpu.dot_dimension_numbers<[1], [0], [0], [1], [0, 0, 1, 1], [], []>, transpose_lhs_hint = false} : vector<4096x120xf32>, vector<120x120xf32>, vector<4096x120xf32> -> vector<4096x120xf32>
    %get3A_17 = arith.constant 0 : index
    %get3A_18 = arith.constant 0 : index
    %get3A_19 = vector.load %arg5[%get3A_17, %get3A_18] : memref<1x120xf32, #tpu.memory_space<vmem>>, vector<1x120xf32>
    %add3A_20 = vector.broadcast %get3A_19 : vector<1x120xf32> to vector<4096x120xf32>
    %add3A_21 = arith.addf %dot_general3A_16, %add3A_20 : vector<4096x120xf32>
    %max3A_22 = arith.constant 0.000000e+00 : f32
    %max3A_23 = vector.broadcast %max3A_22 : f32 to vector<4096x120xf32>
    %max3A_24 = arith.maximumf %add3A_21, %max3A_23 : vector<4096x120xf32>
    %get3A_25 = arith.constant 0 : index
    %get3A_26 = arith.constant 0 : index
    %get3A_27 = vector.load %arg6[%get3A_25, %get3A_26] : memref<2x120xf32, #tpu.memory_space<vmem>>, vector<2x120xf32>
    %dot_general3A_28 = arith.constant dense<0.000000e+00> : vector<2x4096xf32>
    %dot_general3A_29 = tpu.matmul %get3A_27, %max3A_24, %dot_general3A_28 {dimension_numbers = #tpu.dot_dimension_numbers<[1], [1], [0], [0], [0, 0, 1, 0], [], []>, transpose_lhs_hint = false} : vector<2x120xf32>, vector<4096x120xf32>, vector<2x4096xf32> -> vector<2x4096xf32>
    %get3A_30 = arith.constant 0 : index
    %get3A_31 = arith.constant 0 : index
    %get3A_32 = vector.load %arg7[%get3A_30, %get3A_31] : memref<2x1xf32, #tpu.memory_space<vmem>>, vector<2x1xf32>
    %add3A_33 = vector.broadcast %get3A_32 : vector<2x1xf32> to vector<2x4096xf32>
    %add3A_34 = arith.addf %dot_general3A_29, %add3A_33 : vector<2x4096xf32>
    %swap3A = arith.constant 0 : index
    %swap3A_35 = arith.constant 0 : index
    %swap3A_36 = vector.load %arg8[%swap3A, %swap3A_35] : memref<2x4096xf32, #tpu.memory_space<vmem>>, vector<2x4096xf32>
    tpu.vector_store %arg8[%swap3A, %swap3A_35], %add3A_34 {strides = array<i32>} : memref<2x4096xf32, #tpu.memory_space<vmem>>, vector<2x4096xf32>,
    return
  }
  func.func @transform_0(%arg0: i32) -> (i32, i32) {
    %c0_i32 = arith.constant 0 : i32
    %c0_i32_0 = arith.constant 0 : i32
    return %arg0, %c0_i32 : i32, i32
  }
  func.func @transform_1(%arg0: i32) -> (i32, i32) {
    %c0_i32 = arith.constant 0 : i32
    %c0_i32_0 = arith.constant 0 : i32
    %c0_i32_1 = arith.constant 0 : i32
    return %c0_i32, %c0_i32_0 : i32, i32
  }
  func.func @transform_2(%arg0: i32) -> (i32, i32) {
    %c0_i32 = arith.constant 0 : i32
    %c0_i32_0 = arith.constant 0 : i32
    %c0_i32_1 = arith.constant 0 : i32
    return %c0_i32, %c0_i32_0 : i32, i32
  }
  func.func @transform_3(%arg0: i32) -> (i32, i32) {
    %c0_i32 = arith.constant 0 : i32
    %c0_i32_0 = arith.constant 0 : i32
    %c0_i32_1 = arith.constant 0 : i32
    return %c0_i32, %c0_i32_0 : i32, i32
  }
  func.func @transform_4(%arg0: i32) -> (i32, i32) {
    %c0_i32 = arith.constant 0 : i32
    %c0_i32_0 = arith.constant 0 : i32
    %c0_i32_1 = arith.constant 0 : i32
    return %c0_i32, %c0_i32_0 : i32, i32
  }
  func.func @transform_5(%arg0: i32) -> (i32, i32) {
    %c0_i32 = arith.constant 0 : i32
    %c0_i32_0 = arith.constant 0 : i32
    %c0_i32_1 = arith.constant 0 : i32
    return %c0_i32, %c0_i32_0 : i32, i32
  }
  func.func @transform_6(%arg0: i32) -> (i32, i32) {
    %c0_i32 = arith.constant 0 : i32
    %c0_i32_0 = arith.constant 0 : i32
    %c0_i32_1 = arith.constant 0 : i32
    return %c0_i32, %c0_i32_0 : i32, i32
  }
  func.func @transform_7(%arg0: i32) -> (i32, i32) {
    %c0_i32 = arith.constant 0 : i32
    %c0_i32_0 = arith.constant 0 : i32
    return %c0_i32, %arg0 : i32, i32
  }
}

</mosaic_0001>

<sc_bundles>
// kernel: kernel.4.cloned.1.call-start
scs
__scs_entry_jumppad:
0x0: {  	(pc) =	sbr.rel $0x88, $3  }
0x1: {  	(tag) =	ssettag $0x0;
	lr =	simm.s32 $0x1  }
0x2: {  	[smem:$0x3F99] =	sst lr;
	_ =	strace $0xD0000000  }
0x3: {  	_ = 	snop  }
0x4: {  	_ = 	snop  }
0x5: {  	_ = 	snop  }
0x6: {  	_ = 	snop  }
0x7: {  	_ = 	snop  }
__scs_overlays_trampoline_lowered:
0x8: {  	[smem:$0x3FA8] =	sst s0  }
0x9: {  	[smem:$0x3FA9] =	sst s1  }
0xa: {  	[smem:$0x3FAA] =	sst s2  }
0xb: {  	[smem:$0x3FAB] =	sst s3  }
0xc: {  	[smem:$0x3FAC] =	sst s4  }
0xd: {  	[smem:$0x3FAD] =	sst s5  }
0xe: {  	[smem:$0x3FAE] =	sst s6  }
0xf: {  	[smem:$0x3FAF] =	sst s7  }
0x10: {  	[smem:$0x3FB0] =	sst s8  }
0x11: {  	[smem:$0x3FB1] =	sst s9;
	s0 =	simm.s32 @!p0 $0x0  }
0x12: {  	s1 =	sld [smem:$0x3F97];
	s0 =	simm.s32 @p0 $0x1  }
0x13: {  	[smem:$0x3FB2] =	sst s0;
	s0 =	simm.s32 @!p1 $0x0  }
0x14: {  	s2 =	sld [smem:$0x3F96];
	s0 =	simm.s32 @p1 $0x1  }
0x15: {  	[smem:$0x3FB3] =	sst s0;
	s0 =	simm.s32 @!p2 $0x0  }
0x16: {  	s3 =	sld [smem:$0x3FDB];
	s0 =	simm.s32 @p2 $0x1  }
0x17: {  	s4 =	simm.s32 $0x1BF5;
	[smem:$0x3FB5] =	sst s0  }
0x18: {  	s0 =	sld [smem:$0x3F98];
	_ =	swait.ge [sflag:s4], $0x0  }
0x19: {  	s7 =	sld [smem:$0x3F99]  }
0x1a: {  	s8 =	sadd.s32 $0xFFFFE003, lr  }
0x1b: {  	s9 =	sadd.s32 $0xFFFFFEF7, lr;
	s5 =	simm.s32 $0xFFFFFFFF;
	p2 =	slt.u32 s8, $0xFFFFF086  }
0x1c: {  	p1 =	slt.u32 s9, $0xF7A;
	s5 =	simm.s32 @!p2 $0x0  }
0x1d: {  	s5 =	simm.s32 @p1 $0x1;
	p0 =	seq.s32 s7, s2  }
0x1e: {  	s7 =	smul.u32 @!p0 $0xF7A, s2;
	p2 =	seq.s32 @!p0 s5, $0x0  }
0x1f: {  	s9 =	smul.u32 $0xF7A, s1;
	s8 =	simm.s32 @!p0 $0x1BF5;
	p2 =	por !p2, p0  }
0x20: {  	[sflag:s8] =	ssyncset.s32 @!p0 $0xFFFFF086;
	s6 =	sadd.s32 @!p0 s3, s7;
	s7 =	simm.s32 @!p0 $0x108  }
0x21: {  	s3 =	sadd.s32 s3, s9;
	s6 =	sadd.s32 @!p0 $0x88, s6;
	s7 =	simm.s32 @p2 $0x1082  }
0x22: {  	[simem:s7], [sflag:s8] =	dma.local @!p0 [hbm:s6], $0xF7A  }
0x23: {  	s9 =	sor.u32 $0xD0000000, s2;
	s6 =	simm.s32 $0x108;
	_ =	swait.ge @!p0 [sflag:s8], $0x0  }
0x24: {  	s3 =	sadd.s32 $0x88, s3;
	s6 =	simm.s32 @!p1 $0x1082;
	[sflag:s4] =	ssyncset.s32 $0xFFFFF086  }
0x25: {  	[simem:s6], [sflag:s4] =	dma.local [hbm:s3], $0xF7A  }
0x26: {  	[smem:$0x3F99] =	sst s1;
	(tag) =	ssettag s2;
	_ =	strace s9  }
0x27: {  	s1 =	sld [smem:$0x3FA9]  }
0x28: {  	s2 =	sld [smem:$0x3FAA]  }
0x29: {  	s4 =	sld [smem:$0x3FAC]  }
0x2a: {  	p0 =	seq.s32 s5, $0x0;
	s5 =	sld [smem:$0x3FAD]  }
0x2b: {  	s6 =	sld [smem:$0x3FAE]  }
0x2c: {  	s7 =	sld [smem:$0x3FAF]  }
0x2d: {  	s3 =	simm.s32 $0x108;
	s8 =	sld [smem:$0x3FB0]  }
0x2e: {  	s3 =	simm.s32 @!p0 $0x1082;
	s9 =	sld [smem:$0x3FB1]  }
0x2f: {  	lr =	sadd.s32 s0, s3;
	s0 =	sld [smem:$0x3FA8]  }
0x30: {  	s3 =	sld [smem:$0x3FAB]  }
0x31: {  	[smem:$0x3FB4] =	sst s10  }
0x32: {  	s10 =	sld [smem:$0x3FB2];
	_ =	sdelay $0x3  }
0x33: {  	p0 =	seq.s32 s10, $0x1;
	s10 =	sld [smem:$0x3FB4];
	_ =	sdelay $0x3  }
0x34: {  	[smem:$0x3FB4] =	sst s10  }
0x35: {  	s10 =	sld [smem:$0x3FB3];
	_ =	sdelay $0x3  }
0x36: {  	p1 =	seq.s32 s10, $0x1;
	s10 =	sld [smem:$0x3FB4];
	_ =	sdelay $0x3  }
0x37: {  	[smem:$0x3FB4] =	sst s10  }
0x38: {  	s10 =	sld [smem:$0x3FB5]  }
0x39: {  	_ = 	snop;
	(pc) =	sbr.ind lr, $3  }
0x3a: {  	_ = 	snop  }
0x3b: {  	_ = 	snop  }
0x3c: {  	p2 =	seq.s32 s10, $0x1;
	s10 =	sld [smem:$0x3FB4]  }
0x3d: {  	_ =	shalt  }
0x3e: {  	_ =	shalt  }
0x3f: {  	_ =	shalt  }
0x40: {  	_ =	shalt  }
0x41: {  	_ =	shalt  }
0x42: {  	_ =	shalt  }
0x43: {  	_ =	shalt  }
0x44: {  	_ =	shalt  }
0x45: {  	_ =	shalt  }
0x46: {  	_ =	shalt  }
0x47: {  	_ =	shalt  }
0x48: {  	_ =	shalt  }
0x49: {  	_ =	shalt  }
0x4a: {  	_ =	shalt  }
0x4b: {  	_ =	shalt  }
0x4c: {  	_ =	shalt  }
0x4d: {  	_ =	shalt  }
0x4e: {  	_ =	shalt  }
0x4f: {  	_ =	shalt  }
0x50: {  	_ =	shalt  }
0x51: {  	_ =	shalt  }
0x52: {  	_ =	shalt  }
0x53: {  	_ =	shalt  }
0x54: {  	_ =	shalt  }
0x55: {  	_ =	shalt  }
0x56: {  	_ =	shalt  }
0x57: {  	_ =	shalt  }
0x58: {  	_ =	shalt  }
0x59: {  	_ =	shalt  }
0x5a: {  	_ =	shalt  }
0x5b: {  	_ =	shalt  }
0x5c: {  	_ =	shalt  }
0x5d: {  	_ =	shalt  }
0x5e: {  	_ =	shalt  }
0x5f: {  	_ =	shalt  }
0x60: {  	_ =	shalt  }
0x61: {  	_ =	shalt  }
0x62: {  	_ =	shalt  }
0x63: {  	_ =	shalt  }
0x64: {  	_ =	shalt  }
0x65: {  	_ =	shalt  }
0x66: {  	_ =	shalt  }
0x67: {  	_ =	shalt  }
0x68: {  	_ =	shalt  }
0x69: {  	_ =	shalt  }
0x6a: {  	_ =	shalt  }
0x6b: {  	_ =	shalt  }
0x6c: {  	_ =	shalt  }
0x6d: {  	_ =	shalt  }
0x6e: {  	_ =	shalt  }
0x6f: {  	_ =	shalt  }
0x70: {  	_ =	shalt  }
0x71: {  	_ =	shalt  }
0x72: {  	_ =	shalt  }
0x73: {  	_ =	shalt  }
0x74: {  	_ =	shalt  }
0x75: {  	_ =	shalt  }
0x76: {  	_ =	shalt  }
0x77: {  	_ =	shalt  }
0x78: {  	_ =	shalt  }
0x79: {  	_ =	shalt  }
0x7a: {  	_ =	shalt  }
0x7b: {  	_ =	shalt  }
0x7c: {  	_ =	shalt  }
0x7d: {  	_ =	shalt  }
0x7e: {  	_ =	shalt  }
0x7f: {  	_ =	shalt  }
0x80: {  	_ =	shalt  }
0x81: {  	_ =	shalt  }
0x82: {  	_ =	shalt  }
0x83: {  	_ =	shalt  }
0x84: {  	_ =	shalt  }
0x85: {  	_ =	shalt  }
0x86: {  	_ =	shalt  }
0x87: {  	_ =	shalt  }
.Lfunc_end0:
.L_simem_size_0:
called_computation.1_lowered:
.L_overlay_start_0:
0x88: {  	s2 =	sld [smem:$0x3FD9]  }
0x89: {  	s3 =	sld [smem:$0x3FFE];
	_ =	sdelay $0x1  }
0x8a: {  	s1 =	srdreg.scid  }
0x8b: {  	s0 =	sand.u32 $0x1, s1  }
0x8c: {  	s14 =	sshll.u32 s0, $0xA;
	s2 =	sadd.s32 s3, s2  }
0x8d: {  	s2 =	sadd.s32 s2, s14  }
0x8e: {  	[smem:$0x3FC0] =	sst s2  }
0x8f: {  	_ = 	snop  }
0x90: {  	s2 =	sld [smem:$0x3FD0];
	_ =	sdelay $0x2  }
0x91: {  	s15 =	simm.s32 $0xA;
	s4 =	simm.s32 $0x10  }
0x92: {  	[smem:s4], [sflag:s15] =	dma.local [hbm:s2], $0x1  }
0x93: {  	_ =	swait.eq [sflag:s15], $0x1  }
0x94: {  	[sflag:s15] =	ssyncset.done $0x0  }
0x95: {  	s16 =	sld [smem:$0x10];
	[sflag:s15] =	ssyncadd.s32 $0xFFFFFFFF  }
0x96: {  	s17 =	sld [smem:$0x11];
	(tm) =	ssettm $0x1  }
0x97: {  	s18 =	sld [smem:$0x3FFB];
	_ =	sdelay $0x3  }
0x98: {  	_ =	strace s18  }
0x99: {  	s4 =	sld [smem:$0x3FFC];
	_ =	sdelay $0x3  }
0x9a: {  	_ =	strace s4  }
0x9b: {  	s4 =	sld [smem:$0x3FFD];
	_ =	sdelay $0x3  }
0x9c: {  	_ =	strace s4  }
0x9d: {  	_ =	strace $0x8FFFFFFF  }
0x9e: {  	s19 =	sld [smem:$0x3FDB];
	_ =	sdelay $0x1  }
0x9f: {  	s5 =	simm.s32 $_scs_section_size  }
0xa0: {  	s6 =	simm.s32 $_size__tile_overlayer_lowered;
	s7 =	simm.s32 $_tile_overlayer_lowered  }
0xa1: {  	s22 =	simm.s32 $0x1BFF;
	s21 =	sshll.u32 s7, $0x1;
	s4 =	sadd.s32 s5, s19  }
0xa2: {  	s8 =	simm.s32 $0x0;
	s20 =	sshll.u32 s6, $0x1;
	s6 =	sadd.s32 s21, s4  }
0xa3: {  	[timem:s8], [sflag:s22] =	dma.local [hbm:s6], s20  }
0xa4: {  	_ =	swait.ge [sflag:s22], s20  }
0xa5: {  	s5 =	ssub.s32 $0x0, s20;
	[sflag:s22] =	ssyncset.done $0x0  }
0xa6: {  	[sflag:s22] =	ssyncadd.s32 s5;
	_ =	sdelay $0x1  }
0xa7: {  	s23 =	simm.s32 $0x1B8B  }
0xa8: {  	_ =	swait.ge [sflag:s23], $0x1  }
0xa9: {  	[sflag:s23] =	ssyncset.done $0x0  }
0xaa: {  	s25 =	simm.s32 $0x1B8E;
	s24 =	sld [smem:$0x3FFE];
	[sflag:s23] =	ssyncadd.s32 $0xFFFFFFFF  }
0xab: {  	s26 =	simm.s32 $execute0_lowered;
	[smem:$0x3FD2] =	sst s25  }
0xac: {  	s6 =	sshll.u32 s26, $0x1;
	_ =	strace $0x80000046;
	[dreg:$0x1] =	wrdreg $0xFFFFFFFF  }
0xad: {  	s28 =	simm.s32 $_size_execute0_lowered;
	s4 =	sadd.s32 s4, s6;
	[dreg:$0x0] =	wrdreg $0x0  }
0xae: {  	s6 =	sshll.u32 s28, $0x1;
	[dreg:$0x2] =	wrdreg s4  }
0xaf: {  	[dreg:$0x3] =	wrdreg s6  }
0xb0: {  	[dreg:$0x4] =	wrdreg $0xC0  }
0xb1: {  	_ =	task [dreg:s8], $0x5FFFF  }
0xb2: {  	[dreg:$0x1] =	wrdreg $0xFFFFFFFF  }
0xb3: {  	[dreg:$0x0] =	wrdreg $0x60  }
0xb4: {  	[dreg:$0x2] =	wrdreg s24  }
0xb5: {  	[dreg:$0x3] =	wrdreg s16  }
0xb6: {  	[dreg:$0x4] =	wrdreg s17  }
0xb7: {  	[dreg:$0x5] =	wrdreg $0x9  }
0xb8: {  	_ =	task.clear_ibuf [dreg:s8], $0x6FFFF;
	_ =	strace $0x90000046  }
0xb9: {  	s29 =	simm.s32 $0x9;
	_ =	strace $0x80000048  }
0xba: {  	_ =	swait.ge [sflag:s29], $0x1  }
0xbb: {  	[sflag:s29] =	ssyncadd.s32 $0xFFFFFFFF  }
0xbc: {  	_ =	strace $0x90000048  }
0xbd: {  	_ =	sfence  }
0xbe: {  	s30 =	sld [smem:$0x0];
	_ =	sdelay $0x2  }
0xbf: {  	s31 =	sshll.u32 s1, $0xD;
	s1 =	sshrl.u32 s1, $0x2  }
0xc0: {  	s3 =	sand.u32 $0x4000, s31;
	s1 =	sadd.s32 s1, s30  }
0xc1: {  	s0 =	sor.u32 s3, s0;
	s1 =	sshll.u32 s1, $0x11  }
0xc2: {  	s0 =	sor.u32 s1, s0  }
0xc3: {  	s0 =	sadd.s32 $0x8F2B, s0  }
0xc4: {  	[sflag:s0] =	ssyncadd.remote.s32 $0x1  }
0xc5: {  	_ =	sfence.sel $0xFFFF  }
0xc6: {  	[dreg:$0x0] =	wrdreg $0xFFFFFFFF;
	(pc) =	sbr.abs _section_cstart, $3  }
0xc7: {  	[dreg:$0x1] =	wrdreg $0xFFFFFFFF  }
0xc8: {  	_ =	task.clear_ibuf [dreg:s8], $0x2FFFF;
	_ =	strace $0x9FFFFFFF  }
0xc9: {  	(tm) =	ssettm $0x7FFFFFFF  }
tec
execute0_lowered:
.L_overlay_start_1:
0x0: {  	(tag) =	ssettag $0x1  }
0x1: {  	s0 =	srdreg.scid;
	s1 =	rddreg [dreg:$0x0]  }
0x2: {  	s4 =	stileid.u32;
	s5 =	rddreg [dreg:$0x1]  }
0x3: {  	s3 =	simm.s32 $0x0;
	s16 =	simm.s32 $0x80;
	s17 =	simm.s32 $0x6400  }
0x4: {  	s29 =	simm.s32 $0x12400;
	s31 =	simm.s32 $0x14400;
	s28 =	simm.s32 $0x8  }
0x5: {  	s30 =	simm.s32 $0x9;
	s15 =	simm.s32 $0xC;
	s10 =	simm.s32 $0x10  }
0x6: {  	s12 =	simm.s32 $0x0;
	s0 =	sand.u32 $0x1, s0;
	s6 =	smul.u32 $0x320000, s4  }
0x7: {  	s2 =	sshll.u32 s4, $0x1;
	[smem:$0x7FF] =	sst s3;
	s7 =	smul.u32 $0xC800, s4  }
0x8: {  	s4 =	sadd.s32 $0xF44000, s1;
	s8 =	ssub.s32 $0x2, s0;
	s9 =	smul.u32 $0x6400, s0  }
0x9: {  	s2 =	sor.u32 s0, s2;
	s0 =	smul.u32 $0x190000, s0;
	s18 =	sshrl.u32 s8, $0x1  }
0xa: {  	_ =	strace $0x80000047;
	s2 =	smul.u32 $0x6400, s2;
	s1 =	ssub.s32 s8, s18  }
0xb: {  	s7 =	sadd.s32 s9, s7;
	s0 =	sadd.s32 s0, s6;
	s18 =	simm.s32 $0x8400  }
0xc: {  	s6 =	simm.s32 $0xB;
	s8 =	simm.s32 $0xE;
	s1 =	smax.u32 s1, $0x1  }
0xd: {  	s2 =	sshrl.u32 s2, $0x3;
	s0 =	sshrl.u32 s0, $0x3;
	[dreg:$0x5] =	wrdreg s1  }
0xe: {  	s19 =	sshll.u32 s7, $0x3;
	s2 =	sadd.s32 s5, s2;
	[dreg:$0x6] =	wrdreg s0  }
0xf: {  	s9 =	simm.s32 $0xF;
	s20 =	sor.u32 $0x1C00, s19;
	[dreg:$0x4] =	wrdreg s2  }
0x10: {  	s7 =	simm.s32 $0xD;
	s21 =	sor.u32 $0x1800, s19;
	[dreg:$0x7] =	wrdreg s20  }
0x11: {  	s22 =	sor.u32 $0x1400, s19;
	s23 =	sor.u32 $0x1000, s19;
	[dreg:$0x8] =	wrdreg s21  }
0x12: {  	s24 =	sor.u32 $0xC00, s19;
	s25 =	sor.u32 $0x800, s19;
	[dreg:$0x9] =	wrdreg s22  }
0x13: {  	s26 =	sor.u32 $0x400, s19;
	s1 =	simm.s32 $0x1;
	[dreg:$0xa] =	wrdreg s23  }
.Ltmp0:
0x14: {  	s0 =	simm.s32 $0x2;
	[dreg:$0xb] =	wrdreg s24;
	(pc) =	sbr.rel .LBB2_1-.Ltmp0, $4  }
0x15: {  	s19 =	simm.s32 $0x4;
	s5 =	simm.s32 $0xA;
	[dreg:$0xc] =	wrdreg s25  }
0x16: {  	[dreg:$0xd] =	wrdreg s26;
	s20 =	simm.s32 $0xA400;
	s22 =	simm.s32 $0xC400  }
0x17: {  	s24 =	simm.s32 $0xE400;
	s26 =	simm.s32 $0x10400;
	s2 =	simm.s32 $0x3  }
0x18: {  	s21 =	simm.s32 $0x5;
	s23 =	simm.s32 $0x6;
	s25 =	simm.s32 $0x7  }
.LBB2_4:
0x19: {  	_ =	swait.ge [sflag:s30], $0x2000  }
0x1a: {  	[sflag:s30] =	ssyncset.done $0x0  }
0x1b: {  	[sflag:s30] =	ssyncadd.s32 $0xFFFFE000  }
0x1c: {  	_ =	swait.ge [sflag:s5], $0x2000  }
0x1d: {  	[sflag:s5] =	ssyncset.done $0x0  }
0x1e: {  	[sflag:s5] =	ssyncadd.s32 $0xFFFFE000  }
0x1f: {  	_ =	swait.ge [sflag:s6], $0x2000  }
0x20: {  	[sflag:s6] =	ssyncset.done $0x0  }
0x21: {  	[sflag:s6] =	ssyncadd.s32 $0xFFFFE000  }
0x22: {  	_ =	swait.ge [sflag:s15], $0x2000  }
0x23: {  	[sflag:s15] =	ssyncset.done $0x0  }
0x24: {  	[sflag:s15] =	ssyncadd.s32 $0xFFFFE000  }
0x25: {  	_ =	swait.ge [sflag:s7], $0x2000  }
0x26: {  	[sflag:s7] =	ssyncset.done $0x0  }
0x27: {  	[sflag:s7] =	ssyncadd.s32 $0xFFFFE000  }
0x28: {  	_ =	swait.ge [sflag:s8], $0x2000  }
0x29: {  	[sflag:s8] =	ssyncset.done $0x0  }
0x2a: {  	[sflag:s8] =	ssyncadd.s32 $0xFFFFE000  }
0x2b: {  	_ =	swait.ge [sflag:s9], $0x2000  }
0x2c: {  	[sflag:s9] =	ssyncset.done $0x0  }
0x2d: {  	[sflag:s9] =	ssyncadd.s32 $0xFFFFE000  }
0x2e: {  	_ =	swait.ge [sflag:s10], $0x2000  }
0x2f: {  	s12 =	rddreg [dreg:$0xe]  }
0x30: {  	s11 =	rddreg [dreg:$0x5];
	s12 =	sadd.s32 $0x1, s12  }
0x31: {  	p0 =	sne.s32 s12, s11  }
.Ltmp1:
0x32: {  	_ = 	snop;
	(pc) =	sbr.rel @!p0 .LBB2_5-.Ltmp1, $3  }
0x33: {  	_ =	sdelay $0x1  }
0x34: {  	[sflag:s10] =	ssyncset.done $0x0  }
0x35: {  	[sflag:s10] =	ssyncadd.s32 $0xFFFFE000  }
.LBB2_1:
0x36: {  	[dreg:$0xe] =	wrdreg s12  }
0x37: {  	s11 =	rddreg [dreg:$0x4];
	s14 =	simm.s32 $0x11  }
0x38: {  	[tilespmem:s3], [sflag:$0x11] =	stream.linear.gather [hbm4b:s11+s3], $0x6400, $0x38;
	[tilespmem:$0x16400] =	vst v63  }
0x39: {  	_ =	swait.ge [sflag:s14], $0x6400  }
0x3a: {  	[sflag:s14] =	ssyncset.done $0x0  }
0x3b: {  	[sflag:s14] =	ssyncadd.s32 $0xFFFF9C00  }
0x3c: {  	[tilespmem:s17], [sflag:$0x1] =	stream.indirect.gather [hbm4b:s4+s16], $0x40, s3, s16, $0xb8;
	[tilespmem:$0x16400] =	vst v63  }
0x3d: {  	_ = 	snop  }
0x3e: {  	[tilespmem:s18], [sflag:$0x2] =	stream.indirect.gather [hbm4b:s4+s16], $0x40, s16, s16, $0xb8;
	[tilespmem:$0x16400] =	vst v63  }
0x3f: {  	s12 =	simm.s32 $0x100  }
0x40: {  	[tilespmem:s20], [sflag:$0x3] =	stream.indirect.gather [hbm4b:s4+s16], $0x40, s12, s16, $0xb8;
	[tilespmem:$0x16400] =	vst v63  }
0x41: {  	s13 =	simm.s32 $0x180  }
0x42: {  	[tilespmem:s22], [sflag:$0x4] =	stream.indirect.gather [hbm4b:s4+s16], $0x40, s13, s16, $0xb8;
	[tilespmem:$0x16400] =	vst v63  }
0x43: {  	s14 =	simm.s32 $0x200  }
0x44: {  	[tilespmem:s24], [sflag:$0x5] =	stream.indirect.gather [hbm4b:s4+s16], $0x40, s14, s16, $0xb8;
	[tilespmem:$0x16400] =	vst v63  }
0x45: {  	s12 =	simm.s32 $0x280  }
0x46: {  	[tilespmem:s26], [sflag:$0x6] =	stream.indirect.gather [hbm4b:s4+s16], $0x40, s12, s16, $0xb8;
	[tilespmem:$0x16400] =	vst v63  }
0x47: {  	s13 =	simm.s32 $0x300  }
0x48: {  	[tilespmem:s29], [sflag:$0x7] =	stream.indirect.gather [hbm4b:s4+s16], $0x40, s13, s16, $0xb8;
	[tilespmem:$0x16400] =	vst v63  }
0x49: {  	s11 =	rddreg [dreg:$0x2];
	s14 =	simm.s32 $0x380;
	s12 =	simm.s32 $0x0  }
0x4a: {  	[tilespmem:s31], [sflag:$0x8] =	stream.indirect.gather [hbm4b:s4+s16], $0x40, s14, s16, $0xb8;
	[tilespmem:$0x16400] =	vst v63  }
.LBB2_2:
0x4b: {  	_ =	swait.ge [sflag:s1], $0x2000  }
0x4c: {  	[sflag:s1] =	ssyncset.done $0x0;
	s13 =	rddreg [dreg:$0x6]  }
0x4d: {  	[sflag:s1] =	ssyncadd.s32 $0xFFFFE000;
	s13 =	sadd.s32 s11, s13  }
0x4e: {  	[hbm4b:s13+s3] =	stream.linear.scatter [tilespmem:s17], [sflag:$0x9], $0x2000, $0x38;
	[tilespmem:$0x16400] =	vst v63  }
0x4f: {  	_ =	swait.ge [sflag:s0], $0x2000  }
0x50: {  	[sflag:s0] =	ssyncset.done $0x0;
	s14 =	rddreg [dreg:$0xd]  }
0x51: {  	[sflag:s0] =	ssyncadd.s32 $0xFFFFE000;
	s13 =	sadd.s32 s11, s14  }
0x52: {  	[hbm4b:s13+s3] =	stream.linear.scatter [tilespmem:s18], [sflag:$0xA], $0x2000, $0x38;
	[tilespmem:$0x16400] =	vst v63  }
0x53: {  	_ =	swait.ge [sflag:s2], $0x2000  }
0x54: {  	[sflag:s2] =	ssyncset.done $0x0;
	s14 =	rddreg [dreg:$0xc]  }
0x55: {  	[sflag:s2] =	ssyncadd.s32 $0xFFFFE000;
	s13 =	sadd.s32 s11, s14  }
0x56: {  	[hbm4b:s13+s3] =	stream.linear.scatter [tilespmem:s20], [sflag:$0xB], $0x2000, $0x38;
	[tilespmem:$0x16400] =	vst v63  }
0x57: {  	_ =	swait.ge [sflag:s19], $0x2000  }
0x58: {  	[sflag:s19] =	ssyncset.done $0x0;
	s14 =	rddreg [dreg:$0xb]  }
0x59: {  	[sflag:s19] =	ssyncadd.s32 $0xFFFFE000;
	s13 =	sadd.s32 s11, s14  }
0x5a: {  	[hbm4b:s13+s3] =	stream.linear.scatter [tilespmem:s22], [sflag:$0xC], $0x2000, $0x38;
	[tilespmem:$0x16400] =	vst v63  }
0x5b: {  	_ =	swait.ge [sflag:s21], $0x2000  }
0x5c: {  	[sflag:s21] =	ssyncset.done $0x0;
	s14 =	rddreg [dreg:$0xa]  }
0x5d: {  	[sflag:s21] =	ssyncadd.s32 $0xFFFFE000;
	s13 =	sadd.s32 s11, s14  }
0x5e: {  	[hbm4b:s13+s3] =	stream.linear.scatter [tilespmem:s24], [sflag:$0xD], $0x2000, $0x38;
	[tilespmem:$0x16400] =	vst v63  }
0x5f: {  	_ =	swait.ge [sflag:s23], $0x2000  }
0x60: {  	[sflag:s23] =	ssyncset.done $0x0;
	s14 =	rddreg [dreg:$0x9]  }
0x61: {  	[sflag:s23] =	ssyncadd.s32 $0xFFFFE000;
	s13 =	sadd.s32 s11, s14  }
0x62: {  	[hbm4b:s13+s3] =	stream.linear.scatter [tilespmem:s26], [sflag:$0xE], $0x2000, $0x38;
	[tilespmem:$0x16400] =	vst v63  }
0x63: {  	_ =	swait.ge [sflag:s25], $0x2000  }
0x64: {  	[sflag:s25] =	ssyncset.done $0x0;
	s14 =	rddreg [dreg:$0x8]  }
0x65: {  	p0 =	seq.s32 s12, $0x18000;
	[sflag:s25] =	ssyncadd.s32 $0xFFFFE000;
	s13 =	sadd.s32 s11, s14  }
0x66: {  	[hbm4b:s13+s3] =	stream.linear.scatter [tilespmem:s29], [sflag:$0xF], $0x2000, $0x38;
	[tilespmem:$0x16400] =	vst v63  }
.Ltmp2:
0x67: {  	_ = 	snop;
	(pc) =	sbr.rel @p0 .LBB2_4-.Ltmp2, $4  }
0x68: {  	_ =	swait.ge [sflag:s28], $0x2000  }
0x69: {  	[sflag:s28] =	ssyncset.done $0x0;
	s14 =	rddreg [dreg:$0x7]  }
0x6a: {  	[sflag:s28] =	ssyncadd.s32 $0xFFFFE000;
	s13 =	sadd.s32 s11, s14  }
0x6b: {  	[hbm4b:s13+s3] =	stream.linear.scatter [tilespmem:s31], [sflag:$0x10], $0x2000, $0x38;
	[tilespmem:$0x16400] =	vst v63  }
0x6c: {  	_ =	swait.ge [sflag:s30], $0x2000  }
0x6d: {  	s13 =	sshra.s32 s12, $0x2;
	[sflag:s30] =	ssyncset.done $0x0  }
0x6e: {  	s14 =	sadd.s32 $0x400, s13;
	[sflag:s30] =	ssyncadd.s32 $0xFFFFE000  }
0x6f: {  	[tilespmem:s17], [sflag:$0x1] =	stream.indirect.gather [hbm4b:s4+s16], $0x40, s14, s16, $0xb8;
	[tilespmem:$0x16400] =	vst v63  }
0x70: {  	_ =	swait.ge [sflag:s5], $0x2000  }
0x71: {  	[sflag:s5] =	ssyncset.done $0x0  }
0x72: {  	s14 =	sadd.s32 $0x480, s13;
	[sflag:s5] =	ssyncadd.s32 $0xFFFFE000  }
0x73: {  	[tilespmem:s18], [sflag:$0x2] =	stream.indirect.gather [hbm4b:s4+s16], $0x40, s14, s16, $0xb8;
	[tilespmem:$0x16400] =	vst v63  }
0x74: {  	_ =	swait.ge [sflag:s6], $0x2000  }
0x75: {  	[sflag:s6] =	ssyncset.done $0x0  }
0x76: {  	s14 =	sadd.s32 $0x500, s13;
	[sflag:s6] =	ssyncadd.s32 $0xFFFFE000  }
0x77: {  	[tilespmem:s20], [sflag:$0x3] =	stream.indirect.gather [hbm4b:s4+s16], $0x40, s14, s16, $0xb8;
	[tilespmem:$0x16400] =	vst v63  }
0x78: {  	_ =	swait.ge [sflag:s15], $0x2000  }
0x79: {  	[sflag:s15] =	ssyncset.done $0x0  }
0x7a: {  	s14 =	sadd.s32 $0x580, s13;
	[sflag:s15] =	ssyncadd.s32 $0xFFFFE000  }
0x7b: {  	[tilespmem:s22], [sflag:$0x4] =	stream.indirect.gather [hbm4b:s4+s16], $0x40, s14, s16, $0xb8;
	[tilespmem:$0x16400] =	vst v63  }
0x7c: {  	_ =	swait.ge [sflag:s7], $0x2000  }
0x7d: {  	[sflag:s7] =	ssyncset.done $0x0  }
0x7e: {  	s14 =	sadd.s32 $0x600, s13;
	[sflag:s7] =	ssyncadd.s32 $0xFFFFE000  }
0x7f: {  	[tilespmem:s24], [sflag:$0x5] =	stream.indirect.gather [hbm4b:s4+s16], $0x40, s14, s16, $0xb8;
	[tilespmem:$0x16400] =	vst v63  }
0x80: {  	_ =	swait.ge [sflag:s8], $0x2000  }
0x81: {  	[sflag:s8] =	ssyncset.done $0x0  }
0x82: {  	s14 =	sadd.s32 $0x680, s13;
	[sflag:s8] =	ssyncadd.s32 $0xFFFFE000  }
0x83: {  	[tilespmem:s26], [sflag:$0x6] =	stream.indirect.gather [hbm4b:s4+s16], $0x40, s14, s16, $0xb8;
	[tilespmem:$0x16400] =	vst v63  }
0x84: {  	_ =	swait.ge [sflag:s9], $0x2000  }
0x85: {  	[sflag:s9] =	ssyncset.done $0x0  }
0x86: {  	s14 =	sadd.s32 $0x700, s13;
	[sflag:s9] =	ssyncadd.s32 $0xFFFFE000  }
0x87: {  	[tilespmem:s29], [sflag:$0x7] =	stream.indirect.gather [hbm4b:s4+s16], $0x40, s14, s16, $0xb8;
	[tilespmem:$0x16400] =	vst v63  }
.Ltmp3:
0x88: {  	_ = 	snop;
	(pc) =	sbr.rel .LBB2_2-.Ltmp3, $4  }
0x89: {  	_ =	swait.ge [sflag:s10], $0x2000  }
0x8a: {  	s12 =	sadd.s32 $0x1000, s12;
	[sflag:s10] =	ssyncset.done $0x0  }
0x8b: {  	s11 =	sadd.s32 $0x2000, s11;
	s13 =	sadd.s32 $0x780, s13;
	[sflag:s10] =	ssyncadd.s32 $0xFFFFE000  }
0x8c: {  	[tilespmem:s31], [sflag:$0x8] =	stream.indirect.gather [hbm4b:s4+s16], $0x40, s13, s16, $0xb8;
	[tilespmem:$0x16400] =	vst v63  }
.LBB2_5:
0x8d: {  	_ =	sfence.sel $0x180000  }
0x8e: {  	[bflag:$0x0] =	sbarrier.arrive $0xFFFF  }
0x8f: {  	_ =	strace $0x90000047  }
0x90: {  	s0 =	stileid.u32;
	[bflag:$0x2] =	sbarrier.arrive $0xFFFF  }
0x91: {  	p0 =	sne.s32 s0, $0x0;
	s0 =	rddreg [dreg:$0x3]  }
0x92: {  	s0 =	sadd.s32 @!p0 $0x100000, s0  }
0x93: {  	[sflag:s0] =	ssyncadd.tile.s32 @!p0 $0x1;
	_ =	shalt  }
.Lfunc_end2:
_tile_overlayer_lowered:
.L_overlay_start_2:
0x94: {  	(tag) =	ssettag $0x2  }
0x95: {  	s0 =	rddreg [dreg:$0x0];
	s2 =	stileid.u32  }
0x96: {  	s1 =	rddreg [dreg:$0x1];
	p0 =	sne.s32 s2, $0x0  }
0x97: {  	s3 =	rddreg [dreg:$0x2];
	[bflag:$0x3] =	sbarrier.arrive $0xFFFF;
	s2 =	simm.s32 @!p0 $0x1C11  }
0x98: {  	[timem:s3], [sflag:s2] =	dma.local @!p0 [hbm:s0], s1  }
0x99: {  	s0 =	simm.s32 @!p0 $0x11  }
0x9a: {  	_ =	swait.ge @!p0 [sflag:s0], s1  }
0x9b: {  	s1 =	ssub.s32 @!p0 $0x0, s1;
	[sflag:s0] =	ssyncset.done @!p0 $0x0  }
0x9c: {  	[sflag:s0] =	ssyncadd.s32 @!p0 s1  }
0x9d: {  	[bflag:$0x3] =	sbarrier.arrive $0xFFFF  }
0x9e: {  	_ =	shalt  }

// kernel: sparse-core-data-format-call.cloned.1.call-start
scs
called_computation_lowered:
.L_overlay_start_0:
0x0: {  	s2 =	sld [smem:$0x3FD9]  }
0x1: {  	s3 =	sld [smem:$0x3FFE];
	_ =	sdelay $0x1  }
0x2: {  	s1 =	srdreg.scid  }
0x3: {  	s0 =	sand.u32 $0x1, s1  }
0x4: {  	s15 =	sshll.u32 s0, $0xA;
	s2 =	sadd.s32 s3, s2  }
0x5: {  	s2 =	sadd.s32 s2, s15  }
0x6: {  	[smem:$0x3FC0] =	sst s2  }
0x7: {  	_ = 	snop  }
0x8: {  	s2 =	sld [smem:$0x3FD0];
	_ =	sdelay $0x2  }
0x9: {  	s16 =	simm.s32 $0xA;
	s4 =	simm.s32 $0x10  }
0xa: {  	[smem:s4], [sflag:s16] =	dma.local [hbm:s2], $0x1  }
0xb: {  	_ =	swait.eq [sflag:s16], $0x1  }
0xc: {  	[sflag:s16] =	ssyncset.done $0x0  }
0xd: {  	[sflag:s16] =	ssyncadd.s32 $0xFFFFFFFF  }
0xe: {  	s17 =	sld [smem:$0x11];
	(tm) =	ssettm $0x1  }
0xf: {  	s18 =	sld [smem:$0x3FFB];
	_ =	sdelay $0x3  }
0x10: {  	_ =	strace s18  }
0x11: {  	s3 =	sld [smem:$0x3FFC];
	_ =	sdelay $0x3  }
0x12: {  	_ =	strace s3  }
0x13: {  	s3 =	sld [smem:$0x3FFD];
	_ =	sdelay $0x3  }
0x14: {  	_ =	strace s3  }
0x15: {  	_ =	strace $0x8FFFFFFF  }
0x16: {  	s19 =	sld [smem:$0x3FDB];
	_ =	sdelay $0x1  }
0x17: {  	s20 =	simm.s32 $_scs_section_size  }
0x18: {  	s5 =	simm.s32 $_size__tile_overlayer_lowered;
	s6 =	simm.s32 $_tile_overlayer_lowered  }
0x19: {  	s23 =	simm.s32 $0x1BFF;
	s22 =	sshll.u32 s6, $0x1;
	s3 =	sadd.s32 s20, s19  }
0x1a: {  	s7 =	simm.s32 $0x0;
	s21 =	sshll.u32 s5, $0x1;
	s5 =	sadd.s32 s22, s3  }
0x1b: {  	[timem:s7], [sflag:s23] =	dma.local [hbm:s5], s21  }
0x1c: {  	_ =	swait.ge [sflag:s23], s21  }
0x1d: {  	s4 =	ssub.s32 $0x0, s21;
	[sflag:s23] =	ssyncset.done $0x0  }
0x1e: {  	[sflag:s23] =	ssyncadd.s32 s4;
	_ =	sdelay $0x1  }
0x1f: {  	s24 =	simm.s32 $0x1B8B  }
0x20: {  	_ =	swait.ge [sflag:s24], $0x1  }
0x21: {  	[sflag:s24] =	ssyncset.done $0x0  }
0x22: {  	s26 =	simm.s32 $0x1B8E;
	s25 =	sld [smem:$0x3FFE];
	[sflag:s24] =	ssyncadd.s32 $0xFFFFFFFF  }
0x23: {  	s27 =	simm.s32 $execute0_lowered;
	[smem:$0x3FD2] =	sst s26  }
0x24: {  	s5 =	sshll.u32 s27, $0x1;
	_ =	strace $0x80000049;
	[dreg:$0x1] =	wrdreg $0xFFFFFFFF  }
0x25: {  	s28 =	simm.s32 $_size_execute0_lowered;
	s3 =	sadd.s32 s3, s5;
	[dreg:$0x0] =	wrdreg $0x0  }
0x26: {  	s5 =	sshll.u32 s28, $0x1;
	[dreg:$0x2] =	wrdreg s3  }
0x27: {  	[dreg:$0x3] =	wrdreg s5  }
0x28: {  	[dreg:$0x4] =	wrdreg $0xC0  }
0x29: {  	_ =	task [dreg:s7], $0x5FFFF  }
0x2a: {  	[dreg:$0x1] =	wrdreg $0xFFFFFFFF  }
0x2b: {  	[dreg:$0x0] =	wrdreg $0x60  }
0x2c: {  	[dreg:$0x2] =	wrdreg s25  }
0x2d: {  	[dreg:$0x3] =	wrdreg s17  }
0x2e: {  	[dreg:$0x4] =	wrdreg $0x9  }
0x2f: {  	_ =	task.clear_ibuf [dreg:s7], $0x5FFFF;
	_ =	strace $0x90000049  }
0x30: {  	s29 =	simm.s32 $0x9;
	_ =	strace $0x8000004B  }
0x31: {  	_ =	swait.ge [sflag:s29], $0x1  }
0x32: {  	[sflag:s29] =	ssyncadd.s32 $0xFFFFFFFF  }
0x33: {  	_ =	strace $0x9000004B  }
0x34: {  	_ =	sfence  }
0x35: {  	s30 =	sld [smem:$0x0];
	_ =	sdelay $0x2  }
0x36: {  	s31 =	sshll.u32 s1, $0xD;
	s1 =	sshrl.u32 s1, $0x2  }
0x37: {  	s3 =	sand.u32 $0x4000, s31;
	s1 =	sadd.s32 s1, s30  }
0x38: {  	s0 =	sor.u32 s3, s0;
	s1 =	sshll.u32 s1, $0x11  }
0x39: {  	s0 =	sor.u32 s1, s0  }
0x3a: {  	s0 =	sadd.s32 $0x8F2B, s0  }
0x3b: {  	[sflag:s0] =	ssyncadd.remote.s32 $0x1  }
0x3c: {  	_ =	sfence.sel $0xFFFF  }
0x3d: {  	[dreg:$0x0] =	wrdreg $0xFFFFFFFF;
	(pc) =	sbr.abs _section_cstart, $3  }
0x3e: {  	[dreg:$0x1] =	wrdreg $0xFFFFFFFF  }
0x3f: {  	_ =	task.clear_ibuf [dreg:s7], $0x2FFFF;
	_ =	strace $0x9FFFFFFF  }
0x40: {  	(tm) =	ssettm $0x7FFFFFFF  }
0x41: {  	_ =	shalt  }
tec
execute0_lowered:
.L_overlay_start_1:
0x0: {  	(tag) =	ssettag $0x1  }
0x1: {  	s0 =	srdreg.scid  }
0x2: {  	s1 =	sshll.u32 s0, $0x4  }
0x3: {  	s0 =	stileid.u32;
	s1 =	sand.u32 $0x10, s1  }
0x4: {  	s1 =	sor.u32 s0, s1  }
0x5: {  	s6 =	rddreg [dreg:$0x0];
	s4 =	simm.s32 $0x1;
	s2 =	sshll.u32 s1, $0x7  }
0x6: {  	s7 =	simm.s32 $0x2;
	s12 =	simm.s32 $0x0;
	s1 =	ssub.s32 $0x4000, s2  }
0x7: {  	s8 =	simm.s32 $0x20000;
	s13 =	simm.s32 $0x0;
	s3 =	sand.u32 $0xF80, s1  }
0x8: {  	s9 =	simm.s32 $0x0;
	s5 =	sshrl.u32 s1, $0xC;
	p0 =	sne.s32 s3, $0x0  }
.Ltmp0:
0x9: {  	s1 =	rddreg [dreg:$0x2];
	s4 =	simm.s32 @!p0 $0x0;
	(pc) =	sbr.rel .LBB1_1-.Ltmp0, $4  }
0xa: {  	s11 =	simm.s32 $0x0;
	s3 =	rddreg [dreg:$0x1];
	s5 =	sadd.s32 s4, s5  }
0xb: {  	_ =	strace $0x8000004A;
	s4 =	simm.s32 $0x1;
	s5 =	smul.u32 $0x32, s5  }
0xc: {  	s6 =	sadd.s32 $0xE400, s6;
	s10 =	smov.u32 s2;
	[sflag:s4] =	ssyncpa.u1 $0x0  }
0xd: {  	p0 =	por $0x0, $0x0;
	[sflag:s7] =	ssyncpa.u1 $0x0;
	s7 =	sor.u32 $0x1, s5  }
.LBB1_4:
0xe: {  	s16 =	sshll.u32 s13, $0x3;
	s17 =	sand.u32 $0x78, s13  }
0xf: {  	s30 =	sand.u32 $0x1F800, s13;
	s12 =	sshll.u32 s12, $0x11;
	s16 =	sand.u32 $0x3C00, s16  }
0x10: {  	[tilespmem:s15+$0x810 ss:$0x81] =	vst.msk $0xffff, v2;
	s31 =	sand.u32 $0x7, s13;
	s16 =	sor.u32 s17, s16;
	s17 =	sadd.s32 s3, s30  }
0x11: {  	[tilespmem:s15+$0x1020 ss:$0x81] =	vst.msk $0xffff, v0;
	s13 =	sshll.u32 s31, $0x12;
	s12 =	sadd.s32 s12, s17;
	s16 =	sshrl.u32 s16, $0x3  }
0x12: {  	[tilespmem:s15+$0x0 ss:$0x81] =	vst.msk $0xffff, v1;
	s13 =	sor.u32 $0x400, s13;
	s12 =	sadd.s32 s16, s12  }
0x13: {  	[hbm4b:s12+s13] =	stream.strided.scatter [tilespmem:s14], [sflag:$0x2], $0x2000, s8, s13, $0x20;
	[tilespmem:$0x8080] =	vst v63  }
.LBB1_5:
0x14: {  	s14 =	sadd.s32 $0x1, s9  }
0x15: {  	s12 =	sadd.s32 $0x1000, s10;
	s16 =	smov.u32 s10;
	p2 =	sgt.s32 s14, $0x31  }
0x16: {  	s16 =	smov.u32 @p2 s12  }
0x17: {  	s14 =	simm.s32 @p2 $0x0;
	p2 =	sgt.s32 s16, $0x3FFF  }
0x18: {  	s16 =	smov.u32 @p2 s2;
	p2 =	sne.s32 s11, s7  }
.Ltmp1:
0x19: {  	p1 =	slt.u32 s11, $0x2;
	(pc) =	sbr.rel @!p2 .LBB1_6-.Ltmp1, $4  }
0x1a: {  	s15 =	simm.s32 @!p1 $0x2  }
0x1b: {  	s13 =	smov.u32 s10;
	p0 =	por !p0, !p0;
	_ =	swait.ge @!p1 [sflag:s15], $0x2000  }
0x1c: {  	s12 =	smov.u32 s9;
	[sflag:s15] =	ssyncset.done @!p1 $0x0;
	s9 =	smov.u32 s14  }
0x1d: {  	s11 =	sadd.s32 $0x1, s11;
	[sflag:s15] =	ssyncadd.s32 @!p1 $0xFFFFE000;
	s10 =	smov.u32 s16  }
.LBB1_1:
0x1e: {  	p1 =	sge.u32 s11, s5  }
0x1f: {  	s14 =	sand.u32 @!p1 $0x1FFFFFF, s9  }
0x20: {  	s15 =	smulhi.u32 @!p1 $0x4924925, s14;
	_ =	sdelay $0x1  }
0x21: {  	s15 =	smul.u32 @!p1 $0x38, s15  }
0x22: {  	s16 =	sxor.u32 @!p1 $0xFFFFFFFF, s11;
	s17 =	smul.u32 @!p1 $0x380, s10  }
0x23: {  	s31 =	sadd.s32 $0xFFFFFFFF, s11;
	s16 =	sshll.u32 @!p1 s16, $0xD;
	s14 =	ssub.s32 @!p1 s14, s15  }
0x24: {  	s15 =	sand.u32 @!p1 $0x2000, s16;
	s16 =	sadd.s32 @!p1 s6, s17;
	s14 =	sshll.u32 @!p1 s14, $0x4  }
0x25: {  	s17 =	simm.s32 @!p1 $0x1C00;
	s14 =	sadd.s32 @!p1 s14, s16;
	s16 =	simm.s32 @!p1 $0x40  }
0x26: {  	[tilespmem:s15], [sflag:$0x1] =	stream.strided.gather @!p1 [hbm4b:s14+s16], $0x2000, s17, s16, $0x38;
	[tilespmem:$0x8080] =	vst v63  }
0x27: {  	p1 =	sge.u32 s31, s5  }
.Ltmp2:
0x28: {  	_ = 	snop;
	(pc) =	sbr.rel @p1 .LBB1_5-.Ltmp2, $1  }
0x29: {  	_ =	sdelay $0x3  }
0x2a: {  	s14 =	simm.s32 $0x1  }
0x2b: {  	_ =	swait.ge [sflag:s4], $0x2000;
	s14 =	simm.s32 @!p0 $0x0  }
0x2c: {  	[sflag:s4] =	ssyncset.done $0x0;
	s15 =	sshll.u32 s14, $0xD  }
0x2d: {  	[sflag:s4] =	ssyncadd.s32 $0xFFFFE000;
	s18 =	sor.u32 $0x20, s15  }
0x2e: {  	s14 =	smul.u32 $0x8100, s14;
	v3 =	vld [tilespmem:s18+$0x10]  }
0x2f: {  	s30 =	sand.u32 $0x1, s11;
	v2 =	vld [tilespmem:s18+$0xFFFFFFF0]  }
0x30: {  	s15 =	smul.u32 $0x8100, s30;
	s14 =	sshrl.u32 s14, $0x2;
	v0 =	vld [tilespmem:s18+$0x0]  }
0x31: {  	v1 =	vld [tilespmem:s18+$0xFFFFFFE0];
	s16 =	sor.u32 $0x4000, s14  }
0x32: {  	s31 =	sshrl.u32 s15, $0x2;
	s15 =	sadd.s32 $0x0, s16  }
0x33: {  	s17 =	simm.s32 $0x4;
	s18 =	sadd.s32 $0x40, s18;
	s14 =	sor.u32 $0x4000, s31;
	[tilespmem:s15+$0x1830 ss:$0x81] =	vst.msk $0xffff, v3  }
.LBB1_3:
0x34: {  	v3 =	vld [tilespmem:s18+$0x10];
	p1 =	sne.s32 s17, $0x1FC;
	[tilespmem:s15+$0x810 ss:$0x81] =	vst.msk $0xffff, v2;
	s19 =	smov.u32 s17;
	s17 =	sadd.s32 $0x4, s17  }
.Ltmp3:
0x35: {  	v2 =	vld [tilespmem:s18+$0xFFFFFFF0];
	[tilespmem:s15+$0x1020 ss:$0x81] =	vst.msk $0xffff, v0;
	(pc) =	sbr.rel @p1 .LBB1_3-.Ltmp3, $4  }
0x36: {  	v0 =	vld [tilespmem:s18+$0x0];
	[tilespmem:s15+$0x0 ss:$0x81] =	vst.msk $0xffff, v1  }
0x37: {  	s15 =	sshra.s32 s19, $0x2;
	v1 =	vld [tilespmem:s18+$0xFFFFFFE0]  }
0x38: {  	s15 =	sadd.s32 s15, s16  }
0x39: {  	s18 =	sadd.s32 $0x40, s18;
	[tilespmem:s15+$0x1830 ss:$0x81] =	vst.msk $0xffff, v3  }
.Ltmp4:
0x3a: {  	_ = 	snop;
	(pc) =	sbr.rel .LBB1_4-.Ltmp4, $1  }
0x3b: {  	_ =	sdelay $0x3  }
.LBB1_6:
0x3c: {  	_ =	sfence.sel $0x180000  }
0x3d: {  	s2 =	simm.s32 $0x1;
	[bflag:$0x0] =	sbarrier.arrive $0xFFFF  }
0x3e: {  	s31 =	simm.s32 $0x2;
	[sflag:s2] =	ssyncpa.u1 $0x1  }
0x3f: {  	[sflag:s31] =	ssyncpa.u1 $0x1  }
0x40: {  	p0 =	sne.s32 s0, $0x0;
	_ =	strace $0x9000004A  }
0x41: {  	s0 =	sadd.s32 @!p0 $0x100000, s1;
	[bflag:$0x2] =	sbarrier.arrive $0xFFFF  }
0x42: {  	[sflag:s0] =	ssyncadd.tile.s32 @!p0 $0x1;
	_ =	shalt  }
.Lfunc_end1:
_tile_overlayer_lowered:
.L_overlay_start_2:
0x43: {  	(tag) =	ssettag $0x2  }
0x44: {  	s0 =	rddreg [dreg:$0x0];
	s2 =	stileid.u32  }
0x45: {  	s1 =	rddreg [dreg:$0x1];
	p0 =	sne.s32 s2, $0x0  }
0x46: {  	s3 =	rddreg [dreg:$0x2];
	[bflag:$0x3] =	sbarrier.arrive $0xFFFF;
	s2 =	simm.s32 @!p0 $0x1C01  }
0x47: {  	[timem:s3], [sflag:s2] =	dma.local @!p0 [hbm:s0], s1  }
0x48: {  	s0 =	simm.s32 @!p0 $0x1  }
0x49: {  	_ =	swait.ge @!p0 [sflag:s0], s1  }
0x4a: {  	s1 =	ssub.s32 @!p0 $0x0, s1;
	[sflag:s0] =	ssyncset.done @!p0 $0x0  }
0x4b: {  	[sflag:s0] =	ssyncadd.s32 @!p0 s1  }
0x4c: {  	[bflag:$0x3] =	sbarrier.arrive $0xFFFF  }
0x4d: {  	_ =	shalt  }

</sc_bundles>
